<compile_context>
chip_gen: v7x
topology: tpu7x:2x2x1
jax: 0.10.2.dev20260603
libtpu: 0.0.44.dev20260713+nightly
codegen_flags: <defaults>
</compile_context>

<pallas_src>
import functools

import jax
import jax.numpy as jnp
from jax import lax
from jax.experimental import pallas as pl
from jax.experimental.pallas import tpu as pltpu
from jax.experimental.pallas import tpu_sc as plsc

B = 4096
D = 1024
K = 4
KP = 8
KM_ITERS = 10



def _feat_body(x_ref, we_ref, be_ref, f_ref):
    f_ref[...] = jnp.maximum(
        jnp.dot(x_ref[...], we_ref[...], preferred_element_type=jnp.float32)
        + be_ref[...],
        0.0,
    )


_FM = 512


def _tc_feat(x, W_ext, b_ext2):
    return pl.pallas_call(
        _feat_body,
        grid=(B // _FM,),
        in_specs=[
            pl.BlockSpec((_FM, D), lambda i: (i, 0)),
            pl.BlockSpec((D, D), lambda i: (0, 0)),
            pl.BlockSpec((1, D), lambda i: (0, 0)),
        ],
        out_specs=pl.BlockSpec((_FM, D), lambda i: (i, 0)),
        out_shape=jax.ShapeDtypeStruct((B, D), jnp.float32),
    )(x, W_ext, b_ext2)



_RC = 128


def _km_body(f_ref, ws_ref, bs_ref, pe_ref, lab_ref, rank_ref, pep_ref):
    pep_ref[...] = (
        jnp.dot(pe_ref[...], ws_ref[...], preferred_element_type=jnp.float32)
        + bs_ref[...]
    )
    f = f_ref[...]
    fsq = jnp.sum(f * f, axis=1, keepdims=True)
    col_k = lax.broadcasted_iota(jnp.int32, (1, KP), 1)
    pad_mask = jnp.where(col_k >= K, jnp.float32(1e30), jnp.float32(0.0))
    oh_iota = lax.broadcasted_iota(jnp.int32, (B, KP), 1)

    def km_iter(_, carry):
        c, _ = carry
        d2 = (
            fsq
            - 2.0 * lax.dot_general(f, c, (((1,), (1,)), ((), ())),
                                    preferred_element_type=jnp.float32)
            + jnp.sum(c * c, axis=1)[None, :]
            + pad_mask
        )
        labels = jnp.argmin(d2, axis=1).astype(jnp.int32)
        oh = (labels[:, None] == oh_iota).astype(jnp.float32)
        sums = lax.dot_general(oh, f, (((0,), (0,)), ((), ())),
                               preferred_element_type=jnp.float32)
        counts = jnp.maximum(jnp.sum(oh, axis=0)[:, None], 1.0)
        return sums / counts, labels

    c0 = f[0:KP]
    _, labels = lax.fori_loop(
        0, KM_ITERS, km_iter, (c0, jnp.zeros((B,), jnp.int32))
    )

    oh = (labels[:, None] == oh_iota).astype(jnp.float32)
    k_iota = lax.broadcasted_iota(jnp.int32, (1, KP), 1).astype(jnp.float32)
    labels_row = lax.dot_general(k_iota, oh, (((1,), (1,)), ((), ())),
                                 preferred_element_type=jnp.float32)
    lab_ref[...] = labels_row.astype(jnp.int32)

    keys_row = (labels_row * B
                + lax.broadcasted_iota(jnp.int32, (1, B), 1).astype(jnp.float32))
    keys_col = (labels.astype(jnp.float32)[:, None] * B
                + lax.broadcasted_iota(jnp.int32, (B, 1), 0).astype(jnp.float32))
    rank = jnp.zeros((1, B), jnp.float32)
    CH = 256
    for r0 in range(0, B, CH):
        chunk = lax.slice(keys_col, (r0, 0), (r0 + CH, 1))
        rank = rank + jnp.sum((chunk < keys_row).astype(jnp.float32),
                              axis=0, keepdims=True)
    rank_ref[...] = rank.astype(jnp.int32)


def _tc_kmeans(feat, W_est, b_est2, pe_table):
    return pl.pallas_call(
        _km_body,
        out_shape=[
            jax.ShapeDtypeStruct((1, B), jnp.int32),
            jax.ShapeDtypeStruct((1, B), jnp.int32),
            jax.ShapeDtypeStruct((K, D), jnp.float32),
        ],
    )(feat, W_est, b_est2, pe_table)



def _est_body(f_ref, lab_ref, ws_ref, pep_ref, z_ref):
    lab_blk = lab_ref[...]
    oh_t = (lax.broadcasted_iota(jnp.int32, (K, 1), 0)
            == lab_blk).astype(jnp.float32)
    pe_add = lax.dot_general(oh_t, pep_ref[...], (((0,), (0,)), ((), ())),
                             preferred_element_type=jnp.float32)
    z_ref[...] = (
        jnp.dot(f_ref[...], ws_ref[...], preferred_element_type=jnp.float32)
        + pe_add
    )


def _tc_est(feat, labels_row, W_est, pe_projb):
    return pl.pallas_call(
        _est_body,
        grid=(B // _FM,),
        in_specs=[
            pl.BlockSpec((_FM, D), lambda i: (i, 0)),
            pl.BlockSpec((1, _FM), lambda i: (0, i)),
            pl.BlockSpec((D, D), lambda i: (0, 0)),
            pl.BlockSpec((K, D), lambda i: (0, 0)),
        ],
        out_specs=pl.BlockSpec((_FM, D), lambda i: (i, 0)),
        out_shape=jax.ShapeDtypeStruct((B, D), jnp.float32),
    )(feat, labels_row, W_est, pe_projb)



_NW = 32
_PER = B // _NW
_CHUNK = 64


def _sc_permute(z, rank):
    mesh = plsc.VectorSubcoreMesh(core_axis_name="c", subcore_axis_name="s")

    @functools.partial(
        pl.kernel,
        out_type=jax.ShapeDtypeStruct((B, D), jnp.float32),
        mesh=mesh,
        scratch_types=[
            pltpu.VMEM((_CHUNK,), jnp.int32),
            pltpu.VMEM((_CHUNK, D), jnp.float32),
            pltpu.SemaphoreType.DMA,
        ],
    )
    def k(z_hbm, rank_hbm, out_hbm, idx_v, rows_v, sem):
        wid = lax.axis_index("s") * 2 + lax.axis_index("c")
        base = wid * _PER
        for c in range(_PER // _CHUNK):
            off = base + c * _CHUNK
            pltpu.sync_copy(rank_hbm.at[pl.ds(off, _CHUNK)], idx_v)
            pltpu.sync_copy(z_hbm.at[pl.ds(off, _CHUNK)], rows_v)
            pltpu.async_copy(rows_v, out_hbm.at[idx_v], sem).wait()

    return k(z, rank)


def kernel(x, W_ext, b_ext, W_est, b_est, pe_table):
    feat = _tc_feat(x, W_ext, b_ext.reshape(1, D))
    labels_row, rank_row, pe_projb = _tc_kmeans(
        feat, W_est, b_est.reshape(1, D), pe_table)
    z = _tc_est(feat, labels_row, W_est, pe_projb)
    return _sc_permute(z, rank_row.reshape(B))

# --- scband reference (transcript-rebuilt; emitter-appended) ---
"""Pipeline reference for scband-ext-trans-22067541967579 (READ-ONLY COPY).

The authoritative reference and input builder live on the scoring server;
editing this copy changes nothing except your own understanding.
"""

import jax, jax.numpy as jnp
import numpy as np

B, D_IN, D_FEAT, D_OUT, K_CLUSTERS, KM_ITERS = 4096, 1024, 1024, 1024, 4, 10


def setup_inputs(seed: int = 0) -> dict:
    key = jax.random.key(seed)
    ks = jax.random.split(key, 6)
    x = jax.random.normal(ks[0], (B, D_IN), dtype=jnp.float32)
    W_ext = jax.random.normal(ks[1], (D_IN, D_FEAT), dtype=jnp.float32) * (1.0 / np.sqrt(D_IN))
    b_ext = jnp.zeros((D_FEAT,), dtype=jnp.float32)
    W_est = jax.random.normal(ks[2], (D_FEAT, D_OUT), dtype=jnp.float32) * (1.0 / np.sqrt(D_FEAT))
    b_est = jnp.zeros((D_OUT,), dtype=jnp.float32)
    pe_table = jax.random.normal(ks[3], (K_CLUSTERS, D_FEAT), dtype=jnp.float32) * 0.02
    return {"x": x, "W_ext": W_ext, "b_ext": b_ext, "W_est": W_est, "b_est": b_est, "pe_table": pe_table}


def _kmeans_labels(feats):
    # KMeans in the torch reference runs on detached features (no grad through clustering):
    f = jax.lax.stop_gradient(feats)
    c = f[:K_CLUSTERS]  # deterministic init (first K points)
    labels = jnp.zeros((f.shape[0],), dtype=jnp.int32)
    f_sq = jnp.sum(f * f, axis=1, keepdims=True)
    for _ in range(KM_ITERS):
        d2 = f_sq - 2.0 * (f @ c.T) + jnp.sum(c * c, axis=1)[None, :]
        labels = jnp.argmin(d2, axis=1)
        oh = jax.nn.one_hot(labels, K_CLUSTERS, dtype=f.dtype)
        sums = oh.T @ f
        counts = jnp.maximum(jnp.sum(oh, axis=0)[:, None], 1.0)
        c = sums / counts
    return labels


def reference(x, W_ext, b_ext, W_est, b_est, pe_table):
    # ext: feature extractor (Linear + ReLU)
    feat = jax.nn.relu(x @ W_ext + b_ext)
    # features_sort: KMeans(n_clusters=4) labels, stable sort by label, gather features
    labels = _kmeans_labels(feat)
    order = jnp.argsort(labels)
    sort_labels = jnp.take(labels, order, axis=0)
    sort_feat = jnp.take(feat, order, axis=0)
    # PE(sort_features, sort_clusters): additive cluster-indexed positional embedding
    pe_x = sort_feat + jnp.take(pe_table, sort_labels, axis=0)
    # est: estimator head (Linear)
    out = pe_x @ W_est + b_est
    return out

if __name__ == "__main__":
    import jax
    _d = setup_inputs()
    print(jax.jit(kernel)(*tuple(_d.values())))

</pallas_src>

<mosaic_0001>
#map = affine_map<(d0, d1) -> (0, 0)>
#map1 = affine_map<(d0, d1) -> (0)>
module attributes {stable_mosaic.version = 14 : i64} {
  func.func @k(%arg0: i32, %arg1: i32, %arg2: memref<4096x1024xf32, #tpu.memory_space<hbm>>, %arg3: memref<4096xi32, #tpu.memory_space<hbm>>, %arg4: memref<4096x1024xf32, #tpu.memory_space<hbm>>, %arg5: memref<64xi32, #tpu.memory_space<vmem>>, %arg6: memref<64x1024xf32, #tpu.memory_space<vmem>>, %arg7: memref<!tpu.dma_semaphore, #tpu.memory_space<semaphore_mem>>) attributes {dimension_semantics = [#tpu.dimension_semantics<core_parallel>, #tpu.dimension_semantics<subcore_parallel>], iteration_bounds = array<i64: 2, 16>, scalar_prefetch = 0 : i64, scratch_operands = 3 : i64, tpu.core_type = #tpu.core_type<sc_vector_subcore>, window_params = [{transform_indices = #map}, {transform_indices = #map1}, {transform_indices = #map}]} {
    %mul3A = arith.constant 2 : i32
    %mul3A_0 = arith.muli %arg1, %mul3A : i32
    %add3A = arith.addi %mul3A_0, %arg0 : i32
    %mul3A_1 = arith.constant 128 : i32
    %mul3A_2 = arith.muli %add3A, %mul3A_1 : i32
    %add3A_3 = arith.constant 0 : i32
    %add3A_4 = arith.addi %mul3A_2, %add3A_3 : i32
    "tpu.region"() ({
      %run_scoped3A = tpu.sem_alloc : memref<!tpu.dma_semaphore, #tpu.memory_space<semaphore_mem>>
      %dma_start3A_17 = tpu.memref_slice %arg3[%add3A_4] : memref<4096xi32, #tpu.memory_space<hbm>> -> memref<64xi32, #tpu.memory_space<hbm>>
      %dma_start3A_18 = tpu.memref_slice %arg3[%add3A_4] : memref<4096xi32, #tpu.memory_space<hbm>> -> memref<64xi32, #tpu.memory_space<hbm>>
      tpu.enqueue_dma source(%dma_start3A_18 : memref<64xi32, #tpu.memory_space<hbm>>) target(%arg5 : memref<64xi32, #tpu.memory_space<vmem>>) target_semaphore(%run_scoped3A : memref<!tpu.dma_semaphore, #tpu.memory_space<semaphore_mem>>)
      %dma_wait3A_19 = tpu.memref_slice %arg3[%add3A_4] : memref<4096xi32, #tpu.memory_space<hbm>> -> memref<64xi32, #tpu.memory_space<hbm>>
      %dma_wait3A_20 = tpu.memref_slice %arg3[%add3A_4] : memref<4096xi32, #tpu.memory_space<hbm>> -> memref<64xi32, #tpu.memory_space<hbm>>
      tpu.wait_dma2 semaphore(%run_scoped3A : memref<!tpu.dma_semaphore, #tpu.memory_space<semaphore_mem>>) src(%dma_wait3A_20 : memref<64xi32, #tpu.memory_space<hbm>>) dst(%arg5 : memref<64xi32, #tpu.memory_space<vmem>>)
      tpu.yield
    }) : () -> ()
    "tpu.region"() ({
      %run_scoped3A = tpu.sem_alloc : memref<!tpu.dma_semaphore, #tpu.memory_space<semaphore_mem>>
      %dma_start3A_17 = arith.constant 0 : i32
      %dma_start3A_18 = tpu.memref_slice %arg2[%add3A_4, %dma_start3A_17] : memref<4096x1024xf32, #tpu.memory_space<hbm>> -> memref<64x1024xf32, #tpu.memory_space<hbm>>
      %dma_start3A_19 = arith.constant 0 : i32
      %dma_start3A_20 = tpu.memref_slice %arg2[%add3A_4, %dma_start3A_19] : memref<4096x1024xf32, #tpu.memory_space<hbm>> -> memref<64x1024xf32, #tpu.memory_space<hbm>>
      tpu.enqueue_dma source(%dma_start3A_20 : memref<64x1024xf32, #tpu.memory_space<hbm>>) target(%arg6 : memref<64x1024xf32, #tpu.memory_space<vmem>>) target_semaphore(%run_scoped3A : memref<!tpu.dma_semaphore, #tpu.memory_space<semaphore_mem>>)
      %dma_wait3A_21 = arith.constant 0 : i32
      %dma_wait3A_22 = tpu.memref_slice %arg2[%add3A_4, %dma_wait3A_21] : memref<4096x1024xf32, #tpu.memory_space<hbm>> -> memref<64x1024xf32, #tpu.memory_space<hbm>>
      %dma_wait3A_23 = arith.constant 0 : i32
      %dma_wait3A_24 = tpu.memref_slice %arg2[%add3A_4, %dma_wait3A_23] : memref<4096x1024xf32, #tpu.memory_space<hbm>> -> memref<64x1024xf32, #tpu.memory_space<hbm>>
      tpu.wait_dma2 semaphore(%run_scoped3A : memref<!tpu.dma_semaphore, #tpu.memory_space<semaphore_mem>>) src(%dma_wait3A_24 : memref<64x1024xf32, #tpu.memory_space<hbm>>) dst(%arg6 : memref<64x1024xf32, #tpu.memory_space<vmem>>)
      tpu.yield
    }) : () -> ()
    %dma_start3A = arith.constant 0 : i32
    %dma_start3A_5 = arith.constant 0 : i32
    %dma_start3A_6 = tpu.memref_slice %arg4[%dma_start3A, %dma_start3A_5] : memref<4096x1024xf32, #tpu.memory_space<hbm>> -> memref<4096x1024xf32, #tpu.memory_space<hbm>>
    tpu.enqueue_indirect_dma source(%arg6 : memref<64x1024xf32, #tpu.memory_space<vmem>>) target(%dma_start3A_6 : memref<4096x1024xf32, #tpu.memory_space<hbm>>) offsets(%arg5 : memref<64xi32, #tpu.memory_space<vmem>>) semaphore(%arg7 : memref<!tpu.dma_semaphore, #tpu.memory_space<semaphore_mem>>)
    %dma_wait3A = arith.constant 0 : i32
    %dma_wait3A_7 = arith.constant 0 : i32
    %dma_wait3A_8 = tpu.memref_slice %arg4[%dma_wait3A, %dma_wait3A_7] : memref<4096x1024xf32, #tpu.memory_space<hbm>> -> memref<4096x1024xf32, #tpu.memory_space<hbm>>
    tpu.wait_indirect_dma semaphore(%arg7 : memref<!tpu.dma_semaphore, #tpu.memory_space<semaphore_mem>>) src(%arg6 : memref<64x1024xf32, #tpu.memory_space<vmem>>) dst(%dma_wait3A_8 : memref<4096x1024xf32, #tpu.memory_space<hbm>>)
    %add3A_9 = arith.constant 64 : i32
    %add3A_10 = arith.addi %mul3A_2, %add3A_9 : i32
    "tpu.region"() ({
      %run_scoped3A = tpu.sem_alloc : memref<!tpu.dma_semaphore, #tpu.memory_space<semaphore_mem>>
      %dma_start3A_17 = tpu.memref_slice %arg3[%add3A_10] : memref<4096xi32, #tpu.memory_space<hbm>> -> memref<64xi32, #tpu.memory_space<hbm>>
      %dma_start3A_18 = tpu.memref_slice %arg3[%add3A_10] : memref<4096xi32, #tpu.memory_space<hbm>> -> memref<64xi32, #tpu.memory_space<hbm>>
      tpu.enqueue_dma source(%dma_start3A_18 : memref<64xi32, #tpu.memory_space<hbm>>) target(%arg5 : memref<64xi32, #tpu.memory_space<vmem>>) target_semaphore(%run_scoped3A : memref<!tpu.dma_semaphore, #tpu.memory_space<semaphore_mem>>)
      %dma_wait3A_19 = tpu.memref_slice %arg3[%add3A_10] : memref<4096xi32, #tpu.memory_space<hbm>> -> memref<64xi32, #tpu.memory_space<hbm>>
      %dma_wait3A_20 = tpu.memref_slice %arg3[%add3A_10] : memref<4096xi32, #tpu.memory_space<hbm>> -> memref<64xi32, #tpu.memory_space<hbm>>
      tpu.wait_dma2 semaphore(%run_scoped3A : memref<!tpu.dma_semaphore, #tpu.memory_space<semaphore_mem>>) src(%dma_wait3A_20 : memref<64xi32, #tpu.memory_space<hbm>>) dst(%arg5 : memref<64xi32, #tpu.memory_space<vmem>>)
      tpu.yield
    }) : () -> ()
    "tpu.region"() ({
      %run_scoped3A = tpu.sem_alloc : memref<!tpu.dma_semaphore, #tpu.memory_space<semaphore_mem>>
      %dma_start3A_17 = arith.constant 0 : i32
      %dma_start3A_18 = tpu.memref_slice %arg2[%add3A_10, %dma_start3A_17] : memref<4096x1024xf32, #tpu.memory_space<hbm>> -> memref<64x1024xf32, #tpu.memory_space<hbm>>
      %dma_start3A_19 = arith.constant 0 : i32
      %dma_start3A_20 = tpu.memref_slice %arg2[%add3A_10, %dma_start3A_19] : memref<4096x1024xf32, #tpu.memory_space<hbm>> -> memref<64x1024xf32, #tpu.memory_space<hbm>>
      tpu.enqueue_dma source(%dma_start3A_20 : memref<64x1024xf32, #tpu.memory_space<hbm>>) target(%arg6 : memref<64x1024xf32, #tpu.memory_space<vmem>>) target_semaphore(%run_scoped3A : memref<!tpu.dma_semaphore, #tpu.memory_space<semaphore_mem>>)
      %dma_wait3A_21 = arith.constant 0 : i32
      %dma_wait3A_22 = tpu.memref_slice %arg2[%add3A_10, %dma_wait3A_21] : memref<4096x1024xf32, #tpu.memory_space<hbm>> -> memref<64x1024xf32, #tpu.memory_space<hbm>>
      %dma_wait3A_23 = arith.constant 0 : i32
      %dma_wait3A_24 = tpu.memref_slice %arg2[%add3A_10, %dma_wait3A_23] : memref<4096x1024xf32, #tpu.memory_space<hbm>> -> memref<64x1024xf32, #tpu.memory_space<hbm>>
      tpu.wait_dma2 semaphore(%run_scoped3A : memref<!tpu.dma_semaphore, #tpu.memory_space<semaphore_mem>>) src(%dma_wait3A_24 : memref<64x1024xf32, #tpu.memory_space<hbm>>) dst(%arg6 : memref<64x1024xf32, #tpu.memory_space<vmem>>)
      tpu.yield
    }) : () -> ()
    %dma_start3A_11 = arith.constant 0 : i32
    %dma_start3A_12 = arith.constant 0 : i32
    %dma_start3A_13 = tpu.memref_slice %arg4[%dma_start3A_11, %dma_start3A_12] : memref<4096x1024xf32, #tpu.memory_space<hbm>> -> memref<4096x1024xf32, #tpu.memory_space<hbm>>
    tpu.enqueue_indirect_dma source(%arg6 : memref<64x1024xf32, #tpu.memory_space<vmem>>) target(%dma_start3A_13 : memref<4096x1024xf32, #tpu.memory_space<hbm>>) offsets(%arg5 : memref<64xi32, #tpu.memory_space<vmem>>) semaphore(%arg7 : memref<!tpu.dma_semaphore, #tpu.memory_space<semaphore_mem>>)
    %dma_wait3A_14 = arith.constant 0 : i32
    %dma_wait3A_15 = arith.constant 0 : i32
    %dma_wait3A_16 = tpu.memref_slice %arg4[%dma_wait3A_14, %dma_wait3A_15] : memref<4096x1024xf32, #tpu.memory_space<hbm>> -> memref<4096x1024xf32, #tpu.memory_space<hbm>>
    tpu.wait_indirect_dma semaphore(%arg7 : memref<!tpu.dma_semaphore, #tpu.memory_space<semaphore_mem>>) src(%arg6 : memref<64x1024xf32, #tpu.memory_space<vmem>>) dst(%dma_wait3A_16 : memref<4096x1024xf32, #tpu.memory_space<hbm>>)
    return
  }
}

module attributes {stable_mosaic.version = 14 : i64} {
  func.func @_feat_body(%arg0: i32, %arg1: memref<512x1024xf32, #tpu.memory_space<vmem>>, %arg2: memref<1024x1024xf32, #tpu.memory_space<vmem>>, %arg3: memref<1x1024xf32, #tpu.memory_space<vmem>>, %arg4: memref<512x1024xf32, #tpu.memory_space<vmem>>) attributes {dimension_semantics = [#tpu.dimension_semantics<arbitrary>], iteration_bounds = array<i64: 8>, scalar_prefetch = 0 : i64, scratch_operands = 0 : i64, tpu.core_type = #tpu.core_type<tc>, window_params = [{transform_indices = @transform_0, window_bounds = array<i64: 512, 1024>}, {pipeline_mode = #tpu.pipeline_mode<synchronous>, transform_indices = @transform_1, window_bounds = array<i64: 1024, 1024>}, {pipeline_mode = #tpu.pipeline_mode<synchronous>, transform_indices = @transform_2, window_bounds = array<i64: 1, 1024>}, {transform_indices = @transform_3, window_bounds = array<i64: 512, 1024>}]} {
    %get3A = arith.constant 0 : index
    %get3A_0 = arith.constant 0 : index
    %get3A_1 = vector.load %arg1[%get3A, %get3A_0] : memref<512x1024xf32, #tpu.memory_space<vmem>>, vector<512x1024xf32>
    %get3A_2 = arith.constant 0 : index
    %get3A_3 = arith.constant 0 : index
    %get3A_4 = vector.load %arg2[%get3A_2, %get3A_3] : memref<1024x1024xf32, #tpu.memory_space<vmem>>, vector<1024x1024xf32>
    %dot_general3A = arith.constant dense<0.000000e+00> : vector<512x1024xf32>
    %dot_general3A_5 = tpu.matmul %get3A_1, %get3A_4, %dot_general3A {dimension_numbers = #tpu.dot_dimension_numbers<[1], [0], [0], [1], [0, 0, 1, 1], [], []>, transpose_lhs_hint = false} : vector<512x1024xf32>, vector<1024x1024xf32>, vector<512x1024xf32> -> vector<512x1024xf32>
    %get3A_6 = arith.constant 0 : index
    %get3A_7 = arith.constant 0 : index
    %get3A_8 = vector.load %arg3[%get3A_6, %get3A_7] : memref<1x1024xf32, #tpu.memory_space<vmem>>, vector<1x1024xf32>
    %add3A = vector.broadcast %get3A_8 : vector<1x1024xf32> to vector<512x1024xf32>
    %add3A_9 = arith.addf %dot_general3A_5, %add3A : vector<512x1024xf32>
    %max3A = arith.constant 0.000000e+00 : f32
    %max3A_10 = vector.broadcast %max3A : f32 to vector<512x1024xf32>
    %max3A_11 = arith.maximumf %add3A_9, %max3A_10 : vector<512x1024xf32>
    %swap3A = arith.constant 0 : index
    %swap3A_12 = arith.constant 0 : index
    %swap3A_13 = vector.load %arg4[%swap3A, %swap3A_12] : memref<512x1024xf32, #tpu.memory_space<vmem>>, vector<512x1024xf32>
    tpu.vector_store %arg4[%swap3A, %swap3A_12], %max3A_11 {strides = array<i32>} : memref<512x1024xf32, #tpu.memory_space<vmem>>, vector<512x1024xf32>,
    return
  }
  func.func @transform_0(%arg0: i32) -> (i32, i32) {
    %c0_i32 = arith.constant 0 : i32
    %c0_i32_0 = arith.constant 0 : i32
    return %arg0, %c0_i32 : i32, i32
  }
  func.func @transform_1(%arg0: i32) -> (i32, i32) {
    %c0_i32 = arith.constant 0 : i32
    %c0_i32_0 = arith.constant 0 : i32
    %c0_i32_1 = arith.constant 0 : i32
    return %c0_i32, %c0_i32_0 : i32, i32
  }
  func.func @transform_2(%arg0: i32) -> (i32, i32) {
    %c0_i32 = arith.constant 0 : i32
    %c0_i32_0 = arith.constant 0 : i32
    %c0_i32_1 = arith.constant 0 : i32
    return %c0_i32, %c0_i32_0 : i32, i32
  }
  func.func @transform_3(%arg0: i32) -> (i32, i32) {
    %c0_i32 = arith.constant 0 : i32
    %c0_i32_0 = arith.constant 0 : i32
    return %arg0, %c0_i32 : i32, i32
  }
}

module attributes {stable_mosaic.version = 14 : i64} {
  func.func @_est_body(%arg0: i32, %arg1: memref<512x1024xf32, #tpu.memory_space<vmem>>, %arg2: memref<1x512xi32, #tpu.memory_space<vmem>>, %arg3: memref<1024x1024xf32, #tpu.memory_space<vmem>>, %arg4: memref<4x1024xf32, #tpu.memory_space<vmem>>, %arg5: memref<512x1024xf32, #tpu.memory_space<vmem>>) attributes {dimension_semantics = [#tpu.dimension_semantics<arbitrary>], iteration_bounds = array<i64: 8>, scalar_prefetch = 0 : i64, scratch_operands = 0 : i64, tpu.core_type = #tpu.core_type<tc>, window_params = [{transform_indices = @transform_0, window_bounds = array<i64: 512, 1024>}, {transform_indices = @transform_1, window_bounds = array<i64: 1, 512>}, {pipeline_mode = #tpu.pipeline_mode<synchronous>, transform_indices = @transform_2, window_bounds = array<i64: 1024, 1024>}, {pipeline_mode = #tpu.pipeline_mode<synchronous>, transform_indices = @transform_3, window_bounds = array<i64: 4, 1024>}, {transform_indices = @transform_4, window_bounds = array<i64: 512, 1024>}]} {
    %get3A = arith.constant 0 : index
    %get3A_0 = arith.constant 0 : index
    %get3A_1 = vector.load %arg2[%get3A, %get3A_0] : memref<1x512xi32, #tpu.memory_space<vmem>>, vector<1x512xi32>
    %iota3A = tpu.iota {dimensions = array<i32: 0>} : vector<4x1xi32>
    %eq3A = vector.broadcast %iota3A : vector<4x1xi32> to vector<4x512xi32>
    %eq3A_2 = vector.broadcast %get3A_1 : vector<1x512xi32> to vector<4x512xi32>
    %eq3A_3 = arith.cmpi eq, %eq3A, %eq3A_2 : vector<4x512xi32>
    %convert_element_type3A = arith.extui %eq3A_3 : vector<4x512xi1> to vector<4x512xi32>
    %convert_element_type3A_4 = arith.sitofp %convert_element_type3A : vector<4x512xi32> to vector<4x512xf32>
    %get3A_5 = arith.constant 0 : index
    %get3A_6 = arith.constant 0 : index
    %get3A_7 = vector.load %arg4[%get3A_5, %get3A_6] : memref<4x1024xf32, #tpu.memory_space<vmem>>, vector<4x1024xf32>
    %dot_general3A = arith.constant dense<0.000000e+00> : vector<512x1024xf32>
    %dot_general3A_8 = tpu.matmul %convert_element_type3A_4, %get3A_7, %dot_general3A {dimension_numbers = #tpu.dot_dimension_numbers<[0], [0], [1], [1], [0, 1, 1, 1], [], []>, transpose_lhs_hint = false} : vector<4x512xf32>, vector<4x1024xf32>, vector<512x1024xf32> -> vector<512x1024xf32>
    %get3A_9 = arith.constant 0 : index
    %get3A_10 = arith.constant 0 : index
    %get3A_11 = vector.load %arg1[%get3A_9, %get3A_10] : memref<512x1024xf32, #tpu.memory_space<vmem>>, vector<512x1024xf32>
    %get3A_12 = arith.constant 0 : index
    %get3A_13 = arith.constant 0 : index
    %get3A_14 = vector.load %arg3[%get3A_12, %get3A_13] : memref<1024x1024xf32, #tpu.memory_space<vmem>>, vector<1024x1024xf32>
    %dot_general3A_15 = arith.constant dense<0.000000e+00> : vector<512x1024xf32>
    %dot_general3A_16 = tpu.matmul %get3A_11, %get3A_14, %dot_general3A_15 {dimension_numbers = #tpu.dot_dimension_numbers<[1], [0], [0], [1], [0, 0, 1, 1], [], []>, transpose_lhs_hint = false} : vector<512x1024xf32>, vector<1024x1024xf32>, vector<512x1024xf32> -> vector<512x1024xf32>
    %add3A = arith.addf %dot_general3A_16, %dot_general3A_8 : vector<512x1024xf32>
    %swap3A = arith.constant 0 : index
    %swap3A_17 = arith.constant 0 : index
    %swap3A_18 = vector.load %arg5[%swap3A, %swap3A_17] : memref<512x1024xf32, #tpu.memory_space<vmem>>, vector<512x1024xf32>
    tpu.vector_store %arg5[%swap3A, %swap3A_17], %add3A {strides = array<i32>} : memref<512x1024xf32, #tpu.memory_space<vmem>>, vector<512x1024xf32>,
    return
  }
  func.func @transform_0(%arg0: i32) -> (i32, i32) {
    %c0_i32 = arith.constant 0 : i32
    %c0_i32_0 = arith.constant 0 : i32
    return %arg0, %c0_i32 : i32, i32
  }
  func.func @transform_1(%arg0: i32) -> (i32, i32) {
    %c0_i32 = arith.constant 0 : i32
    %c0_i32_0 = arith.constant 0 : i32
    return %c0_i32, %arg0 : i32, i32
  }
  func.func @transform_2(%arg0: i32) -> (i32, i32) {
    %c0_i32 = arith.constant 0 : i32
    %c0_i32_0 = arith.constant 0 : i32
    %c0_i32_1 = arith.constant 0 : i32
    return %c0_i32, %c0_i32_0 : i32, i32
  }
  func.func @transform_3(%arg0: i32) -> (i32, i32) {
    %c0_i32 = arith.constant 0 : i32
    %c0_i32_0 = arith.constant 0 : i32
    %c0_i32_1 = arith.constant 0 : i32
    return %c0_i32, %c0_i32_0 : i32, i32
  }
  func.func @transform_4(%arg0: i32) -> (i32, i32) {
    %c0_i32 = arith.constant 0 : i32
    %c0_i32_0 = arith.constant 0 : i32
    return %arg0, %c0_i32 : i32, i32
  }
}

module attributes {stable_mosaic.version = 14 : i64} {
  func.func @_km_body(%arg0: memref<4096x1024xf32, #tpu.memory_space<vmem>>, %arg1: memref<1024x1024xf32, #tpu.memory_space<vmem>>, %arg2: memref<1x1024xf32, #tpu.memory_space<vmem>>, %arg3: memref<4x1024xf32, #tpu.memory_space<vmem>>, %arg4: memref<1x4096xi32, #tpu.memory_space<vmem>>, %arg5: memref<1x4096xi32, #tpu.memory_space<vmem>>, %arg6: memref<4x1024xf32, #tpu.memory_space<vmem>>) attributes {dimension_semantics = [], scalar_prefetch = 0 : i64, scratch_operands = 0 : i64, tpu.core_type = #tpu.core_type<tc>} {
    %get3A = arith.constant 0 : index
    %get3A_0 = arith.constant 0 : index
    %get3A_1 = vector.load %arg3[%get3A, %get3A_0] : memref<4x1024xf32, #tpu.memory_space<vmem>>, vector<4x1024xf32>
    %get3A_2 = arith.constant 0 : index
    %get3A_3 = arith.constant 0 : index
    %get3A_4 = vector.load %arg1[%get3A_2, %get3A_3] : memref<1024x1024xf32, #tpu.memory_space<vmem>>, vector<1024x1024xf32>
    %dot_general3A = arith.constant dense<0.000000e+00> : vector<4x1024xf32>
    %dot_general3A_5 = tpu.matmul %get3A_1, %get3A_4, %dot_general3A {dimension_numbers = #tpu.dot_dimension_numbers<[1], [0], [0], [1], [0, 0, 1, 1], [], []>, transpose_lhs_hint = false} : vector<4x1024xf32>, vector<1024x1024xf32>, vector<4x1024xf32> -> vector<4x1024xf32>
    %get3A_6 = arith.constant 0 : index
    %get3A_7 = arith.constant 0 : index
    %get3A_8 = vector.load %arg2[%get3A_6, %get3A_7] : memref<1x1024xf32, #tpu.memory_space<vmem>>, vector<1x1024xf32>
    %add3A = vector.broadcast %get3A_8 : vector<1x1024xf32> to vector<4x1024xf32>
    %add3A_9 = arith.addf %dot_general3A_5, %add3A : vector<4x1024xf32>
    %swap3A = arith.constant 0 : index
    %swap3A_10 = arith.constant 0 : index
    %swap3A_11 = vector.load %arg6[%swap3A, %swap3A_10] : memref<4x1024xf32, #tpu.memory_space<vmem>>, vector<4x1024xf32>
    tpu.vector_store %arg6[%swap3A, %swap3A_10], %add3A_9 {strides = array<i32>} : memref<4x1024xf32, #tpu.memory_space<vmem>>, vector<4x1024xf32>,
    %get3A_12 = arith.constant 0 : index
    %get3A_13 = arith.constant 0 : index
    %get3A_14 = vector.load %arg0[%get3A_12, %get3A_13] : memref<4096x1024xf32, #tpu.memory_space<vmem>>, vector<4096x1024xf32>
    %mul3A = arith.mulf %get3A_14, %get3A_14 : vector<4096x1024xf32>
    %reduce_sum3A = arith.constant dense<0.000000e+00> : vector<4096xf32>
    %reduce_sum3A_15 = vector.multi_reduction <add>, %mul3A, %reduce_sum3A [1] : vector<4096x1024xf32> to vector<4096xf32>
    %broadcast_in_dim3A = vector.shape_cast %reduce_sum3A_15 : vector<4096xf32> to vector<4096x1xf32>
    %iota3A = tpu.iota {dimensions = array<i32: 1>} : vector<1x8xi32>
    %ge3A = arith.constant 4 : i32
    %ge3A_16 = vector.broadcast %ge3A : i32 to vector<1x8xi32>
    %ge3A_17 = arith.cmpi sge, %iota3A, %ge3A_16 : vector<1x8xi32>
    %jit3A = arith.constant 1.000000e+30 : f32
    %jit3A_18 = arith.constant 0.000000e+00 : f32
    %broadcast_in_dim3A_19 = vector.broadcast %jit3A : f32 to vector<1x8xf32>
    %broadcast_in_dim3A_20 = vector.broadcast %jit3A_18 : f32 to vector<1x8xf32>
    %select_n3A = arith.select %ge3A_17, %broadcast_in_dim3A_19, %broadcast_in_dim3A_20 : vector<1x8xi1>, vector<1x8xf32>
    %iota3A_21 = tpu.iota {dimensions = array<i32: 1>} : vector<4096x8xi32>
    %slice3A = vector.extract_strided_slice %get3A_14 {offsets = [0, 0], sizes = [8, 1024], strides = [1, 1]} : vector<4096x1024xf32> to vector<8x1024xf32>
    %broadcast_in_dim3A_22 = arith.constant 0 : i32
    %broadcast_in_dim3A_23 = vector.broadcast %broadcast_in_dim3A_22 : i32 to vector<4096xi32>
    %scan3A = arith.constant 0 : i32
    %scan3A_24 = arith.constant 10 : i32
    %scan3A_25 = arith.addi %scan3A, %scan3A_24 : i32
    %scan3A_26 = arith.constant 1 : i32
    %scan3A_27:2 = scf.for %scan3A_218 = %scan3A to %scan3A_25 step %scan3A_26 iter_args(%scan3A_219 = %slice3A, %scan3A_220 = %broadcast_in_dim3A_23) -> (vector<8x1024xf32>, vector<4096xi32>)  : i32 {
      %dot_general3A_221 = arith.constant dense<0.000000e+00> : vector<4096x8xf32>
      %dot_general3A_222 = tpu.matmul %get3A_14, %scan3A_219, %dot_general3A_221 {dimension_numbers = #tpu.dot_dimension_numbers<[1], [1], [0], [0], [0, 0, 1, 0], [], []>, transpose_lhs_hint = false} : vector<4096x1024xf32>, vector<8x1024xf32>, vector<4096x8xf32> -> vector<4096x8xf32>
      %mul3A_223 = arith.constant 2.000000e+00 : f32
      %mul3A_224 = vector.broadcast %mul3A_223 : f32 to vector<4096x8xf32>
      %mul3A_225 = arith.mulf %mul3A_224, %dot_general3A_222 : vector<4096x8xf32>
      %sub3A = vector.broadcast %broadcast_in_dim3A : vector<4096x1xf32> to vector<4096x8xf32>
      %sub3A_226 = arith.subf %sub3A, %mul3A_225 : vector<4096x8xf32>
      %mul3A_227 = arith.mulf %scan3A_219, %scan3A_219 : vector<8x1024xf32>
      %reduce_sum3A_228 = arith.constant dense<0.000000e+00> : vector<8xf32>
      %reduce_sum3A_229 = vector.multi_reduction <add>, %mul3A_227, %reduce_sum3A_228 [1] : vector<8x1024xf32> to vector<8xf32>
      %broadcast_in_dim3A_230 = vector.shape_cast %reduce_sum3A_229 : vector<8xf32> to vector<1x8xf32>
      %add3A_231 = vector.broadcast %broadcast_in_dim3A_230 : vector<1x8xf32> to vector<4096x8xf32>
      %add3A_232 = arith.addf %sub3A_226, %add3A_231 : vector<4096x8xf32>
      %add3A_233 = vector.broadcast %select_n3A : vector<1x8xf32> to vector<4096x8xf32>
      %add3A_234 = arith.addf %add3A_232, %add3A_233 : vector<4096x8xf32>
      %argmin3A = tpu.reduce_index %add3A_234 {axis = 1 : i32, kind = #tpu.reduction_kind<arg_min>} : vector<4096x8xf32> -> vector<4096xi32>
      %broadcast_in_dim3A_235 = vector.shape_cast %argmin3A : vector<4096xi32> to vector<4096x1xi32>
      %eq3A_236 = vector.broadcast %broadcast_in_dim3A_235 : vector<4096x1xi32> to vector<4096x8xi32>
      %eq3A_237 = arith.cmpi eq, %eq3A_236, %iota3A_21 : vector<4096x8xi32>
      %convert_element_type3A_238 = arith.extui %eq3A_237 : vector<4096x8xi1> to vector<4096x8xi32>
      %convert_element_type3A_239 = arith.sitofp %convert_element_type3A_238 : vector<4096x8xi32> to vector<4096x8xf32>
      %dot_general3A_240 = arith.constant dense<0.000000e+00> : vector<8x1024xf32>
      %dot_general3A_241 = tpu.matmul %convert_element_type3A_239, %get3A_14, %dot_general3A_240 {dimension_numbers = #tpu.dot_dimension_numbers<[0], [0], [1], [1], [0, 1, 1, 1], [], []>, transpose_lhs_hint = false} : vector<4096x8xf32>, vector<4096x1024xf32>, vector<8x1024xf32> -> vector<8x1024xf32>
      %reduce_sum3A_242 = arith.constant dense<0.000000e+00> : vector<8xf32>
      %reduce_sum3A_243 = vector.multi_reduction <add>, %convert_element_type3A_239, %reduce_sum3A_242 [0] : vector<4096x8xf32> to vector<8xf32>
      %broadcast_in_dim3A_244 = vector.shape_cast %reduce_sum3A_243 : vector<8xf32> to vector<8x1xf32>
      %max3A = arith.constant 1.000000e+00 : f32
      %max3A_245 = vector.broadcast %max3A : f32 to vector<8x1xf32>
      %max3A_246 = arith.maximumf %broadcast_in_dim3A_244, %max3A_245 : vector<8x1xf32>
      %div3A = vector.broadcast %max3A_246 : vector<8x1xf32> to vector<8x1024xf32>
      %div3A_247 = arith.divf %dot_general3A_241, %div3A : vector<8x1024xf32>
      scf.yield %div3A_247, %argmin3A : vector<8x1024xf32>, vector<4096xi32>
    }
    %broadcast_in_dim3A_28 = vector.shape_cast %scan3A_27#1 : vector<4096xi32> to vector<4096x1xi32>
    %eq3A = vector.broadcast %broadcast_in_dim3A_28 : vector<4096x1xi32> to vector<4096x8xi32>
    %eq3A_29 = arith.cmpi eq, %eq3A, %iota3A_21 : vector<4096x8xi32>
    %convert_element_type3A = arith.extui %eq3A_29 : vector<4096x8xi1> to vector<4096x8xi32>
    %convert_element_type3A_30 = arith.sitofp %convert_element_type3A : vector<4096x8xi32> to vector<4096x8xf32>
    %iota3A_31 = tpu.iota {dimensions = array<i32: 1>} : vector<1x8xi32>
    %convert_element_type3A_32 = arith.sitofp %iota3A_31 : vector<1x8xi32> to vector<1x8xf32>
    %dot_general3A_33 = arith.constant dense<0.000000e+00> : vector<1x4096xf32>
    %dot_general3A_34 = tpu.matmul %convert_element_type3A_32, %convert_element_type3A_30, %dot_general3A_33 {dimension_numbers = #tpu.dot_dimension_numbers<[1], [1], [0], [0], [0, 0, 1, 0], [], []>, transpose_lhs_hint = false} : vector<1x8xf32>, vector<4096x8xf32>, vector<1x4096xf32> -> vector<1x4096xf32>
    %convert_element_type3A_35 = arith.fptosi %dot_general3A_34 : vector<1x4096xf32> to vector<1x4096xi32>
    %swap3A_36 = arith.constant 0 : index
    %swap3A_37 = arith.constant 0 : index
    %swap3A_38 = vector.load %arg4[%swap3A_36, %swap3A_37] : memref<1x4096xi32, #tpu.memory_space<vmem>>, vector<1x4096xi32>
    tpu.vector_store %arg4[%swap3A_36, %swap3A_37], %convert_element_type3A_35 {strides = array<i32>} : memref<1x4096xi32, #tpu.memory_space<vmem>>, vector<1x4096xi32>,
    %mul3A_39 = arith.constant 4.096000e+03 : f32
    %mul3A_40 = vector.broadcast %mul3A_39 : f32 to vector<1x4096xf32>
    %mul3A_41 = arith.mulf %dot_general3A_34, %mul3A_40 : vector<1x4096xf32>
    %iota3A_42 = tpu.iota {dimensions = array<i32: 1>} : vector<1x4096xi32>
    %convert_element_type3A_43 = arith.sitofp %iota3A_42 : vector<1x4096xi32> to vector<1x4096xf32>
    %add3A_44 = arith.addf %mul3A_41, %convert_element_type3A_43 : vector<1x4096xf32>
    %convert_element_type3A_45 = arith.sitofp %scan3A_27#1 : vector<4096xi32> to vector<4096xf32>
    %broadcast_in_dim3A_46 = vector.shape_cast %convert_element_type3A_45 : vector<4096xf32> to vector<4096x1xf32>
    %mul3A_47 = arith.constant 4.096000e+03 : f32
    %mul3A_48 = vector.broadcast %mul3A_47 : f32 to vector<4096x1xf32>
    %mul3A_49 = arith.mulf %broadcast_in_dim3A_46, %mul3A_48 : vector<4096x1xf32>
    %iota3A_50 = tpu.iota {dimensions = array<i32: 0>} : vector<4096x1xi32>
    %convert_element_type3A_51 = arith.sitofp %iota3A_50 : vector<4096x1xi32> to vector<4096x1xf32>
    %add3A_52 = arith.addf %mul3A_49, %convert_element_type3A_51 : vector<4096x1xf32>
    %broadcast_in_dim3A_53 = arith.constant 0.000000e+00 : f32
    %broadcast_in_dim3A_54 = vector.broadcast %broadcast_in_dim3A_53 : f32 to vector<1x4096xf32>
    %slice3A_55 = vector.extract_strided_slice %add3A_52 {offsets = [0, 0], sizes = [256, 1], strides = [1, 1]} : vector<4096x1xf32> to vector<256x1xf32>
    %lt3A = vector.broadcast %slice3A_55 : vector<256x1xf32> to vector<256x4096xf32>
    %lt3A_56 = vector.broadcast %add3A_44 : vector<1x4096xf32> to vector<256x4096xf32>
    %lt3A_57 = arith.cmpf olt, %lt3A, %lt3A_56 : vector<256x4096xf32>
    %convert_element_type3A_58 = arith.extui %lt3A_57 : vector<256x4096xi1> to vector<256x4096xi32>
    %convert_element_type3A_59 = arith.sitofp %convert_element_type3A_58 : vector<256x4096xi32> to vector<256x4096xf32>
    %reduce_sum3A_60 = arith.constant dense<0.000000e+00> : vector<4096xf32>
    %reduce_sum3A_61 = vector.multi_reduction <add>, %convert_element_type3A_59, %reduce_sum3A_60 [0] : vector<256x4096xf32> to vector<4096xf32>
    %broadcast_in_dim3A_62 = vector.shape_cast %reduce_sum3A_61 : vector<4096xf32> to vector<1x4096xf32>
    %add3A_63 = arith.addf %broadcast_in_dim3A_54, %broadcast_in_dim3A_62 : vector<1x4096xf32>
    %slice3A_64 = vector.extract_strided_slice %add3A_52 {offsets = [256, 0], sizes = [256, 1], strides = [1, 1]} : vector<4096x1xf32> to vector<256x1xf32>
    %lt3A_65 = vector.broadcast %slice3A_64 : vector<256x1xf32> to vector<256x4096xf32>
    %lt3A_66 = vector.broadcast %add3A_44 : vector<1x4096xf32> to vector<256x4096xf32>
    %lt3A_67 = arith.cmpf olt, %lt3A_65, %lt3A_66 : vector<256x4096xf32>
    %convert_element_type3A_68 = arith.extui %lt3A_67 : vector<256x4096xi1> to vector<256x4096xi32>
    %convert_element_type3A_69 = arith.sitofp %convert_element_type3A_68 : vector<256x4096xi32> to vector<256x4096xf32>
    %reduce_sum3A_70 = arith.constant dense<0.000000e+00> : vector<4096xf32>
    %reduce_sum3A_71 = vector.multi_reduction <add>, %convert_element_type3A_69, %reduce_sum3A_70 [0] : vector<256x4096xf32> to vector<4096xf32>
    %broadcast_in_dim3A_72 = vector.shape_cast %reduce_sum3A_71 : vector<4096xf32> to vector<1x4096xf32>
    %add3A_73 = arith.addf %add3A_63, %broadcast_in_dim3A_72 : vector<1x4096xf32>
    %slice3A_74 = vector.extract_strided_slice %add3A_52 {offsets = [512, 0], sizes = [256, 1], strides = [1, 1]} : vector<4096x1xf32> to vector<256x1xf32>
    %lt3A_75 = vector.broadcast %slice3A_74 : vector<256x1xf32> to vector<256x4096xf32>
    %lt3A_76 = vector.broadcast %add3A_44 : vector<1x4096xf32> to vector<256x4096xf32>
    %lt3A_77 = arith.cmpf olt, %lt3A_75, %lt3A_76 : vector<256x4096xf32>
    %convert_element_type3A_78 = arith.extui %lt3A_77 : vector<256x4096xi1> to vector<256x4096xi32>
    %convert_element_type3A_79 = arith.sitofp %convert_element_type3A_78 : vector<256x4096xi32> to vector<256x4096xf32>
    %reduce_sum3A_80 = arith.constant dense<0.000000e+00> : vector<4096xf32>
    %reduce_sum3A_81 = vector.multi_reduction <add>, %convert_element_type3A_79, %reduce_sum3A_80 [0] : vector<256x4096xf32> to vector<4096xf32>
    %broadcast_in_dim3A_82 = vector.shape_cast %reduce_sum3A_81 : vector<4096xf32> to vector<1x4096xf32>
    %add3A_83 = arith.addf %add3A_73, %broadcast_in_dim3A_82 : vector<1x4096xf32>
    %slice3A_84 = vector.extract_strided_slice %add3A_52 {offsets = [768, 0], sizes = [256, 1], strides = [1, 1]} : vector<4096x1xf32> to vector<256x1xf32>
    %lt3A_85 = vector.broadcast %slice3A_84 : vector<256x1xf32> to vector<256x4096xf32>
    %lt3A_86 = vector.broadcast %add3A_44 : vector<1x4096xf32> to vector<256x4096xf32>
    %lt3A_87 = arith.cmpf olt, %lt3A_85, %lt3A_86 : vector<256x4096xf32>
    %convert_element_type3A_88 = arith.extui %lt3A_87 : vector<256x4096xi1> to vector<256x4096xi32>
    %convert_element_type3A_89 = arith.sitofp %convert_element_type3A_88 : vector<256x4096xi32> to vector<256x4096xf32>
    %reduce_sum3A_90 = arith.constant dense<0.000000e+00> : vector<4096xf32>
    %reduce_sum3A_91 = vector.multi_reduction <add>, %convert_element_type3A_89, %reduce_sum3A_90 [0] : vector<256x4096xf32> to vector<4096xf32>
    %broadcast_in_dim3A_92 = vector.shape_cast %reduce_sum3A_91 : vector<4096xf32> to vector<1x4096xf32>
    %add3A_93 = arith.addf %add3A_83, %broadcast_in_dim3A_92 : vector<1x4096xf32>
    %slice3A_94 = vector.extract_strided_slice %add3A_52 {offsets = [1024, 0], sizes = [256, 1], strides = [1, 1]} : vector<4096x1xf32> to vector<256x1xf32>
    %lt3A_95 = vector.broadcast %slice3A_94 : vector<256x1xf32> to vector<256x4096xf32>
    %lt3A_96 = vector.broadcast %add3A_44 : vector<1x4096xf32> to vector<256x4096xf32>
    %lt3A_97 = arith.cmpf olt, %lt3A_95, %lt3A_96 : vector<256x4096xf32>
    %convert_element_type3A_98 = arith.extui %lt3A_97 : vector<256x4096xi1> to vector<256x4096xi32>
    %convert_element_type3A_99 = arith.sitofp %convert_element_type3A_98 : vector<256x4096xi32> to vector<256x4096xf32>
    %reduce_sum3A_100 = arith.constant dense<0.000000e+00> : vector<4096xf32>
    %reduce_sum3A_101 = vector.multi_reduction <add>, %convert_element_type3A_99, %reduce_sum3A_100 [0] : vector<256x4096xf32> to vector<4096xf32>
    %broadcast_in_dim3A_102 = vector.shape_cast %reduce_sum3A_101 : vector<4096xf32> to vector<1x4096xf32>
    %add3A_103 = arith.addf %add3A_93, %broadcast_in_dim3A_102 : vector<1x4096xf32>
    %slice3A_104 = vector.extract_strided_slice %add3A_52 {offsets = [1280, 0], sizes = [256, 1], strides = [1, 1]} : vector<4096x1xf32> to vector<256x1xf32>
    %lt3A_105 = vector.broadcast %slice3A_104 : vector<256x1xf32> to vector<256x4096xf32>
    %lt3A_106 = vector.broadcast %add3A_44 : vector<1x4096xf32> to vector<256x4096xf32>
    %lt3A_107 = arith.cmpf olt, %lt3A_105, %lt3A_106 : vector<256x4096xf32>
    %convert_element_type3A_108 = arith.extui %lt3A_107 : vector<256x4096xi1> to vector<256x4096xi32>
    %convert_element_type3A_109 = arith.sitofp %convert_element_type3A_108 : vector<256x4096xi32> to vector<256x4096xf32>
    %reduce_sum3A_110 = arith.constant dense<0.000000e+00> : vector<4096xf32>
    %reduce_sum3A_111 = vector.multi_reduction <add>, %convert_element_type3A_109, %reduce_sum3A_110 [0] : vector<256x4096xf32> to vector<4096xf32>
    %broadcast_in_dim3A_112 = vector.shape_cast %reduce_sum3A_111 : vector<4096xf32> to vector<1x4096xf32>
    %add3A_113 = arith.addf %add3A_103, %broadcast_in_dim3A_112 : vector<1x4096xf32>
    %slice3A_114 = vector.extract_strided_slice %add3A_52 {offsets = [1536, 0], sizes = [256, 1], strides = [1, 1]} : vector<4096x1xf32> to vector<256x1xf32>
    %lt3A_115 = vector.broadcast %slice3A_114 : vector<256x1xf32> to vector<256x4096xf32>
    %lt3A_116 = vector.broadcast %add3A_44 : vector<1x4096xf32> to vector<256x4096xf32>
    %lt3A_117 = arith.cmpf olt, %lt3A_115, %lt3A_116 : vector<256x4096xf32>
    %convert_element_type3A_118 = arith.extui %lt3A_117 : vector<256x4096xi1> to vector<256x4096xi32>
    %convert_element_type3A_119 = arith.sitofp %convert_element_type3A_118 : vector<256x4096xi32> to vector<256x4096xf32>
    %reduce_sum3A_120 = arith.constant dense<0.000000e+00> : vector<4096xf32>
    %reduce_sum3A_121 = vector.multi_reduction <add>, %convert_element_type3A_119, %reduce_sum3A_120 [0] : vector<256x4096xf32> to vector<4096xf32>
    %broadcast_in_dim3A_122 = vector.shape_cast %reduce_sum3A_121 : vector<4096xf32> to vector<1x4096xf32>
    %add3A_123 = arith.addf %add3A_113, %broadcast_in_dim3A_122 : vector<1x4096xf32>
    %slice3A_124 = vector.extract_strided_slice %add3A_52 {offsets = [1792, 0], sizes = [256, 1], strides = [1, 1]} : vector<4096x1xf32> to vector<256x1xf32>
    %lt3A_125 = vector.broadcast %slice3A_124 : vector<256x1xf32> to vector<256x4096xf32>
    %lt3A_126 = vector.broadcast %add3A_44 : vector<1x4096xf32> to vector<256x4096xf32>
    %lt3A_127 = arith.cmpf olt, %lt3A_125, %lt3A_126 : vector<256x4096xf32>
    %convert_element_type3A_128 = arith.extui %lt3A_127 : vector<256x4096xi1> to vector<256x4096xi32>
    %convert_element_type3A_129 = arith.sitofp %convert_element_type3A_128 : vector<256x4096xi32> to vector<256x4096xf32>
    %reduce_sum3A_130 = arith.constant dense<0.000000e+00> : vector<4096xf32>
    %reduce_sum3A_131 = vector.multi_reduction <add>, %convert_element_type3A_129, %reduce_sum3A_130 [0] : vector<256x4096xf32> to vector<4096xf32>
    %broadcast_in_dim3A_132 = vector.shape_cast %reduce_sum3A_131 : vector<4096xf32> to vector<1x4096xf32>
    %add3A_133 = arith.addf %add3A_123, %broadcast_in_dim3A_132 : vector<1x4096xf32>
    %slice3A_134 = vector.extract_strided_slice %add3A_52 {offsets = [2048, 0], sizes = [256, 1], strides = [1, 1]} : vector<4096x1xf32> to vector<256x1xf32>
    %lt3A_135 = vector.broadcast %slice3A_134 : vector<256x1xf32> to vector<256x4096xf32>
    %lt3A_136 = vector.broadcast %add3A_44 : vector<1x4096xf32> to vector<256x4096xf32>
    %lt3A_137 = arith.cmpf olt, %lt3A_135, %lt3A_136 : vector<256x4096xf32>
    %convert_element_type3A_138 = arith.extui %lt3A_137 : vector<256x4096xi1> to vector<256x4096xi32>
    %convert_element_type3A_139 = arith.sitofp %convert_element_type3A_138 : vector<256x4096xi32> to vector<256x4096xf32>
    %reduce_sum3A_140 = arith.constant dense<0.000000e+00> : vector<4096xf32>
    %reduce_sum3A_141 = vector.multi_reduction <add>, %convert_element_type3A_139, %reduce_sum3A_140 [0] : vector<256x4096xf32> to vector<4096xf32>
    %broadcast_in_dim3A_142 = vector.shape_cast %reduce_sum3A_141 : vector<4096xf32> to vector<1x4096xf32>
    %add3A_143 = arith.addf %add3A_133, %broadcast_in_dim3A_142 : vector<1x4096xf32>
    %slice3A_144 = vector.extract_strided_slice %add3A_52 {offsets = [2304, 0], sizes = [256, 1], strides = [1, 1]} : vector<4096x1xf32> to vector<256x1xf32>
    %lt3A_145 = vector.broadcast %slice3A_144 : vector<256x1xf32> to vector<256x4096xf32>
    %lt3A_146 = vector.broadcast %add3A_44 : vector<1x4096xf32> to vector<256x4096xf32>
    %lt3A_147 = arith.cmpf olt, %lt3A_145, %lt3A_146 : vector<256x4096xf32>
    %convert_element_type3A_148 = arith.extui %lt3A_147 : vector<256x4096xi1> to vector<256x4096xi32>
    %convert_element_type3A_149 = arith.sitofp %convert_element_type3A_148 : vector<256x4096xi32> to vector<256x4096xf32>
    %reduce_sum3A_150 = arith.constant dense<0.000000e+00> : vector<4096xf32>
    %reduce_sum3A_151 = vector.multi_reduction <add>, %convert_element_type3A_149, %reduce_sum3A_150 [0] : vector<256x4096xf32> to vector<4096xf32>
    %broadcast_in_dim3A_152 = vector.shape_cast %reduce_sum3A_151 : vector<4096xf32> to vector<1x4096xf32>
    %add3A_153 = arith.addf %add3A_143, %broadcast_in_dim3A_152 : vector<1x4096xf32>
    %slice3A_154 = vector.extract_strided_slice %add3A_52 {offsets = [2560, 0], sizes = [256, 1], strides = [1, 1]} : vector<4096x1xf32> to vector<256x1xf32>
    %lt3A_155 = vector.broadcast %slice3A_154 : vector<256x1xf32> to vector<256x4096xf32>
    %lt3A_156 = vector.broadcast %add3A_44 : vector<1x4096xf32> to vector<256x4096xf32>
    %lt3A_157 = arith.cmpf olt, %lt3A_155, %lt3A_156 : vector<256x4096xf32>
    %convert_element_type3A_158 = arith.extui %lt3A_157 : vector<256x4096xi1> to vector<256x4096xi32>
    %convert_element_type3A_159 = arith.sitofp %convert_element_type3A_158 : vector<256x4096xi32> to vector<256x4096xf32>
    %reduce_sum3A_160 = arith.constant dense<0.000000e+00> : vector<4096xf32>
    %reduce_sum3A_161 = vector.multi_reduction <add>, %convert_element_type3A_159, %reduce_sum3A_160 [0] : vector<256x4096xf32> to vector<4096xf32>
    %broadcast_in_dim3A_162 = vector.shape_cast %reduce_sum3A_161 : vector<4096xf32> to vector<1x4096xf32>
    %add3A_163 = arith.addf %add3A_153, %broadcast_in_dim3A_162 : vector<1x4096xf32>
    %slice3A_164 = vector.extract_strided_slice %add3A_52 {offsets = [2816, 0], sizes = [256, 1], strides = [1, 1]} : vector<4096x1xf32> to vector<256x1xf32>
    %lt3A_165 = vector.broadcast %slice3A_164 : vector<256x1xf32> to vector<256x4096xf32>
    %lt3A_166 = vector.broadcast %add3A_44 : vector<1x4096xf32> to vector<256x4096xf32>
    %lt3A_167 = arith.cmpf olt, %lt3A_165, %lt3A_166 : vector<256x4096xf32>
    %convert_element_type3A_168 = arith.extui %lt3A_167 : vector<256x4096xi1> to vector<256x4096xi32>
    %convert_element_type3A_169 = arith.sitofp %convert_element_type3A_168 : vector<256x4096xi32> to vector<256x4096xf32>
    %reduce_sum3A_170 = arith.constant dense<0.000000e+00> : vector<4096xf32>
    %reduce_sum3A_171 = vector.multi_reduction <add>, %convert_element_type3A_169, %reduce_sum3A_170 [0] : vector<256x4096xf32> to vector<4096xf32>
    %broadcast_in_dim3A_172 = vector.shape_cast %reduce_sum3A_171 : vector<4096xf32> to vector<1x4096xf32>
    %add3A_173 = arith.addf %add3A_163, %broadcast_in_dim3A_172 : vector<1x4096xf32>
    %slice3A_174 = vector.extract_strided_slice %add3A_52 {offsets = [3072, 0], sizes = [256, 1], strides = [1, 1]} : vector<4096x1xf32> to vector<256x1xf32>
    %lt3A_175 = vector.broadcast %slice3A_174 : vector<256x1xf32> to vector<256x4096xf32>
    %lt3A_176 = vector.broadcast %add3A_44 : vector<1x4096xf32> to vector<256x4096xf32>
    %lt3A_177 = arith.cmpf olt, %lt3A_175, %lt3A_176 : vector<256x4096xf32>
    %convert_element_type3A_178 = arith.extui %lt3A_177 : vector<256x4096xi1> to vector<256x4096xi32>
    %convert_element_type3A_179 = arith.sitofp %convert_element_type3A_178 : vector<256x4096xi32> to vector<256x4096xf32>
    %reduce_sum3A_180 = arith.constant dense<0.000000e+00> : vector<4096xf32>
    %reduce_sum3A_181 = vector.multi_reduction <add>, %convert_element_type3A_179, %reduce_sum3A_180 [0] : vector<256x4096xf32> to vector<4096xf32>
    %broadcast_in_dim3A_182 = vector.shape_cast %reduce_sum3A_181 : vector<4096xf32> to vector<1x4096xf32>
    %add3A_183 = arith.addf %add3A_173, %broadcast_in_dim3A_182 : vector<1x4096xf32>
    %slice3A_184 = vector.extract_strided_slice %add3A_52 {offsets = [3328, 0], sizes = [256, 1], strides = [1, 1]} : vector<4096x1xf32> to vector<256x1xf32>
    %lt3A_185 = vector.broadcast %slice3A_184 : vector<256x1xf32> to vector<256x4096xf32>
    %lt3A_186 = vector.broadcast %add3A_44 : vector<1x4096xf32> to vector<256x4096xf32>
    %lt3A_187 = arith.cmpf olt, %lt3A_185, %lt3A_186 : vector<256x4096xf32>
    %convert_element_type3A_188 = arith.extui %lt3A_187 : vector<256x4096xi1> to vector<256x4096xi32>
    %convert_element_type3A_189 = arith.sitofp %convert_element_type3A_188 : vector<256x4096xi32> to vector<256x4096xf32>
    %reduce_sum3A_190 = arith.constant dense<0.000000e+00> : vector<4096xf32>
    %reduce_sum3A_191 = vector.multi_reduction <add>, %convert_element_type3A_189, %reduce_sum3A_190 [0] : vector<256x4096xf32> to vector<4096xf32>
    %broadcast_in_dim3A_192 = vector.shape_cast %reduce_sum3A_191 : vector<4096xf32> to vector<1x4096xf32>
    %add3A_193 = arith.addf %add3A_183, %broadcast_in_dim3A_192 : vector<1x4096xf32>
    %slice3A_194 = vector.extract_strided_slice %add3A_52 {offsets = [3584, 0], sizes = [256, 1], strides = [1, 1]} : vector<4096x1xf32> to vector<256x1xf32>
    %lt3A_195 = vector.broadcast %slice3A_194 : vector<256x1xf32> to vector<256x4096xf32>
    %lt3A_196 = vector.broadcast %add3A_44 : vector<1x4096xf32> to vector<256x4096xf32>
    %lt3A_197 = arith.cmpf olt, %lt3A_195, %lt3A_196 : vector<256x4096xf32>
    %convert_element_type3A_198 = arith.extui %lt3A_197 : vector<256x4096xi1> to vector<256x4096xi32>
    %convert_element_type3A_199 = arith.sitofp %convert_element_type3A_198 : vector<256x4096xi32> to vector<256x4096xf32>
    %reduce_sum3A_200 = arith.constant dense<0.000000e+00> : vector<4096xf32>
    %reduce_sum3A_201 = vector.multi_reduction <add>, %convert_element_type3A_199, %reduce_sum3A_200 [0] : vector<256x4096xf32> to vector<4096xf32>
    %broadcast_in_dim3A_202 = vector.shape_cast %reduce_sum3A_201 : vector<4096xf32> to vector<1x4096xf32>
    %add3A_203 = arith.addf %add3A_193, %broadcast_in_dim3A_202 : vector<1x4096xf32>
    %slice3A_204 = vector.extract_strided_slice %add3A_52 {offsets = [3840, 0], sizes = [256, 1], strides = [1, 1]} : vector<4096x1xf32> to vector<256x1xf32>
    %lt3A_205 = vector.broadcast %slice3A_204 : vector<256x1xf32> to vector<256x4096xf32>
    %lt3A_206 = vector.broadcast %add3A_44 : vector<1x4096xf32> to vector<256x4096xf32>
    %lt3A_207 = arith.cmpf olt, %lt3A_205, %lt3A_206 : vector<256x4096xf32>
    %convert_element_type3A_208 = arith.extui %lt3A_207 : vector<256x4096xi1> to vector<256x4096xi32>
    %convert_element_type3A_209 = arith.sitofp %convert_element_type3A_208 : vector<256x4096xi32> to vector<256x4096xf32>
    %reduce_sum3A_210 = arith.constant dense<0.000000e+00> : vector<4096xf32>
    %reduce_sum3A_211 = vector.multi_reduction <add>, %convert_element_type3A_209, %reduce_sum3A_210 [0] : vector<256x4096xf32> to vector<4096xf32>
    %broadcast_in_dim3A_212 = vector.shape_cast %reduce_sum3A_211 : vector<4096xf32> to vector<1x4096xf32>
    %add3A_213 = arith.addf %add3A_203, %broadcast_in_dim3A_212 : vector<1x4096xf32>
    %convert_element_type3A_214 = arith.fptosi %add3A_213 : vector<1x4096xf32> to vector<1x4096xi32>
    %swap3A_215 = arith.constant 0 : index
    %swap3A_216 = arith.constant 0 : index
    %swap3A_217 = vector.load %arg5[%swap3A_215, %swap3A_216] : memref<1x4096xi32, #tpu.memory_space<vmem>>, vector<1x4096xi32>
    tpu.vector_store %arg5[%swap3A_215, %swap3A_216], %convert_element_type3A_214 {strides = array<i32>} : memref<1x4096xi32, #tpu.memory_space<vmem>>, vector<1x4096xi32>,
    return
  }
}

</mosaic_0001>

<sc_bundles>
// kernel: kernel.6.cloned.1.call-start
scs
__scs_entry_jumppad:
0x0: {  	(pc) =	sbr.rel $0x88, $3  }
0x1: {  	(tag) =	ssettag $0x0;
	lr =	simm.s32 $0x1  }
0x2: {  	[smem:$0x3F9B] =	sst lr;
	_ =	strace $0xD0000000  }
0x3: {  	_ = 	snop  }
0x4: {  	_ = 	snop  }
0x5: {  	_ = 	snop  }
0x6: {  	_ = 	snop  }
0x7: {  	_ = 	snop  }
__scs_overlays_trampoline_lowered:
0x8: {  	[smem:$0x3FAA] =	sst s0  }
0x9: {  	[smem:$0x3FAB] =	sst s1  }
0xa: {  	[smem:$0x3FAC] =	sst s2  }
0xb: {  	[smem:$0x3FAD] =	sst s3  }
0xc: {  	[smem:$0x3FAE] =	sst s4  }
0xd: {  	[smem:$0x3FAF] =	sst s5  }
0xe: {  	[smem:$0x3FB0] =	sst s6  }
0xf: {  	[smem:$0x3FB1] =	sst s7  }
0x10: {  	[smem:$0x3FB2] =	sst s8  }
0x11: {  	[smem:$0x3FB3] =	sst s9;
	s0 =	simm.s32 @!p0 $0x0  }
0x12: {  	s1 =	sld [smem:$0x3F99];
	s0 =	simm.s32 @p0 $0x1  }
0x13: {  	[smem:$0x3FB4] =	sst s0;
	s0 =	simm.s32 @!p1 $0x0  }
0x14: {  	s2 =	sld [smem:$0x3F98];
	s0 =	simm.s32 @p1 $0x1  }
0x15: {  	[smem:$0x3FB5] =	sst s0;
	s0 =	simm.s32 @!p2 $0x0  }
0x16: {  	s3 =	sld [smem:$0x3FDB];
	s0 =	simm.s32 @p2 $0x1  }
0x17: {  	s4 =	simm.s32 $0x1BF5;
	[smem:$0x3FB7] =	sst s0  }
0x18: {  	s0 =	sld [smem:$0x3F9A];
	_ =	swait.ge [sflag:s4], $0x0  }
0x19: {  	s7 =	sld [smem:$0x3F9B]  }
0x1a: {  	s8 =	sadd.s32 $0xFFFFE003, lr  }
0x1b: {  	s9 =	sadd.s32 $0xFFFFFEF7, lr;
	s5 =	simm.s32 $0xFFFFFFFF;
	p2 =	slt.u32 s8, $0xFFFFF086  }
0x1c: {  	p1 =	slt.u32 s9, $0xF7A;
	s5 =	simm.s32 @!p2 $0x0  }
0x1d: {  	s5 =	simm.s32 @p1 $0x1;
	p0 =	seq.s32 s7, s2  }
0x1e: {  	s7 =	smul.u32 @!p0 $0xF7A, s2;
	p2 =	seq.s32 @!p0 s5, $0x0  }
0x1f: {  	s9 =	smul.u32 $0xF7A, s1;
	s8 =	simm.s32 @!p0 $0x1BF5;
	p2 =	por !p2, p0  }
0x20: {  	[sflag:s8] =	ssyncset.s32 @!p0 $0xFFFFF086;
	s6 =	sadd.s32 @!p0 s3, s7;
	s7 =	simm.s32 @!p0 $0x108  }
0x21: {  	s3 =	sadd.s32 s3, s9;
	s6 =	sadd.s32 @!p0 $0x88, s6;
	s7 =	simm.s32 @p2 $0x1082  }
0x22: {  	[simem:s7], [sflag:s8] =	dma.local @!p0 [hbm:s6], $0xF7A  }
0x23: {  	s9 =	sor.u32 $0xD0000000, s2;
	s6 =	simm.s32 $0x108;
	_ =	swait.ge @!p0 [sflag:s8], $0x0  }
0x24: {  	s3 =	sadd.s32 $0x88, s3;
	s6 =	simm.s32 @!p1 $0x1082;
	[sflag:s4] =	ssyncset.s32 $0xFFFFF086  }
0x25: {  	[simem:s6], [sflag:s4] =	dma.local [hbm:s3], $0xF7A  }
0x26: {  	[smem:$0x3F9B] =	sst s1;
	(tag) =	ssettag s2;
	_ =	strace s9  }
0x27: {  	s1 =	sld [smem:$0x3FAB]  }
0x28: {  	s2 =	sld [smem:$0x3FAC]  }
0x29: {  	s4 =	sld [smem:$0x3FAE]  }
0x2a: {  	p0 =	seq.s32 s5, $0x0;
	s5 =	sld [smem:$0x3FAF]  }
0x2b: {  	s6 =	sld [smem:$0x3FB0]  }
0x2c: {  	s7 =	sld [smem:$0x3FB1]  }
0x2d: {  	s3 =	simm.s32 $0x108;
	s8 =	sld [smem:$0x3FB2]  }
0x2e: {  	s3 =	simm.s32 @!p0 $0x1082;
	s9 =	sld [smem:$0x3FB3]  }
0x2f: {  	lr =	sadd.s32 s0, s3;
	s0 =	sld [smem:$0x3FAA]  }
0x30: {  	s3 =	sld [smem:$0x3FAD]  }
0x31: {  	[smem:$0x3FB6] =	sst s10  }
0x32: {  	s10 =	sld [smem:$0x3FB4];
	_ =	sdelay $0x3  }
0x33: {  	p0 =	seq.s32 s10, $0x1;
	s10 =	sld [smem:$0x3FB6];
	_ =	sdelay $0x3  }
0x34: {  	[smem:$0x3FB6] =	sst s10  }
0x35: {  	s10 =	sld [smem:$0x3FB5];
	_ =	sdelay $0x3  }
0x36: {  	p1 =	seq.s32 s10, $0x1;
	s10 =	sld [smem:$0x3FB6];
	_ =	sdelay $0x3  }
0x37: {  	[smem:$0x3FB6] =	sst s10  }
0x38: {  	s10 =	sld [smem:$0x3FB7]  }
0x39: {  	_ = 	snop;
	(pc) =	sbr.ind lr, $3  }
0x3a: {  	_ = 	snop  }
0x3b: {  	_ = 	snop  }
0x3c: {  	p2 =	seq.s32 s10, $0x1;
	s10 =	sld [smem:$0x3FB6]  }
0x3d: {  	_ =	shalt  }
0x3e: {  	_ =	shalt  }
0x3f: {  	_ =	shalt  }
0x40: {  	_ =	shalt  }
0x41: {  	_ =	shalt  }
0x42: {  	_ =	shalt  }
0x43: {  	_ =	shalt  }
0x44: {  	_ =	shalt  }
0x45: {  	_ =	shalt  }
0x46: {  	_ =	shalt  }
0x47: {  	_ =	shalt  }
0x48: {  	_ =	shalt  }
0x49: {  	_ =	shalt  }
0x4a: {  	_ =	shalt  }
0x4b: {  	_ =	shalt  }
0x4c: {  	_ =	shalt  }
0x4d: {  	_ =	shalt  }
0x4e: {  	_ =	shalt  }
0x4f: {  	_ =	shalt  }
0x50: {  	_ =	shalt  }
0x51: {  	_ =	shalt  }
0x52: {  	_ =	shalt  }
0x53: {  	_ =	shalt  }
0x54: {  	_ =	shalt  }
0x55: {  	_ =	shalt  }
0x56: {  	_ =	shalt  }
0x57: {  	_ =	shalt  }
0x58: {  	_ =	shalt  }
0x59: {  	_ =	shalt  }
0x5a: {  	_ =	shalt  }
0x5b: {  	_ =	shalt  }
0x5c: {  	_ =	shalt  }
0x5d: {  	_ =	shalt  }
0x5e: {  	_ =	shalt  }
0x5f: {  	_ =	shalt  }
0x60: {  	_ =	shalt  }
0x61: {  	_ =	shalt  }
0x62: {  	_ =	shalt  }
0x63: {  	_ =	shalt  }
0x64: {  	_ =	shalt  }
0x65: {  	_ =	shalt  }
0x66: {  	_ =	shalt  }
0x67: {  	_ =	shalt  }
0x68: {  	_ =	shalt  }
0x69: {  	_ =	shalt  }
0x6a: {  	_ =	shalt  }
0x6b: {  	_ =	shalt  }
0x6c: {  	_ =	shalt  }
0x6d: {  	_ =	shalt  }
0x6e: {  	_ =	shalt  }
0x6f: {  	_ =	shalt  }
0x70: {  	_ =	shalt  }
0x71: {  	_ =	shalt  }
0x72: {  	_ =	shalt  }
0x73: {  	_ =	shalt  }
0x74: {  	_ =	shalt  }
0x75: {  	_ =	shalt  }
0x76: {  	_ =	shalt  }
0x77: {  	_ =	shalt  }
0x78: {  	_ =	shalt  }
0x79: {  	_ =	shalt  }
0x7a: {  	_ =	shalt  }
0x7b: {  	_ =	shalt  }
0x7c: {  	_ =	shalt  }
0x7d: {  	_ =	shalt  }
0x7e: {  	_ =	shalt  }
0x7f: {  	_ =	shalt  }
0x80: {  	_ =	shalt  }
0x81: {  	_ =	shalt  }
0x82: {  	_ =	shalt  }
0x83: {  	_ =	shalt  }
0x84: {  	_ =	shalt  }
0x85: {  	_ =	shalt  }
0x86: {  	_ =	shalt  }
0x87: {  	_ =	shalt  }
.Lfunc_end0:
.L_simem_size_0:
called_computation_lowered:
.L_overlay_start_0:
0x88: {  	s2 =	sld [smem:$0x3FD9]  }
0x89: {  	s3 =	sld [smem:$0x3FFE];
	_ =	sdelay $0x1  }
0x8a: {  	s1 =	srdreg.scid  }
0x8b: {  	s0 =	sand.u32 $0x1, s1  }
0x8c: {  	s17 =	sshll.u32 s0, $0xA;
	s2 =	sadd.s32 s3, s2  }
0x8d: {  	s2 =	sadd.s32 s2, s17  }
0x8e: {  	[smem:$0x3FC2] =	sst s2  }
0x8f: {  	_ = 	snop  }
0x90: {  	s2 =	sld [smem:$0x3FD0];
	(tm) =	ssettm $0x1  }
0x91: {  	s18 =	sld [smem:$0x3FFB];
	_ =	sdelay $0x3  }
0x92: {  	_ =	strace s18  }
0x93: {  	s3 =	sld [smem:$0x3FFC];
	_ =	sdelay $0x3  }
0x94: {  	_ =	strace s3  }
0x95: {  	s3 =	sld [smem:$0x3FFD];
	_ =	sdelay $0x3  }
0x96: {  	_ =	strace s3  }
0x97: {  	_ =	strace $0x8FFFFFFF  }
0x98: {  	s19 =	sld [smem:$0x3FDB];
	_ =	sdelay $0x1  }
0x99: {  	s4 =	simm.s32 $_scs_section_size  }
0x9a: {  	s5 =	simm.s32 $_size__tile_overlayer_lowered;
	s6 =	simm.s32 $_tile_overlayer_lowered  }
0x9b: {  	s22 =	simm.s32 $0x1BFF;
	s21 =	sshll.u32 s6, $0x1;
	s3 =	sadd.s32 s4, s19  }
0x9c: {  	s7 =	simm.s32 $0x0;
	s20 =	sshll.u32 s5, $0x1;
	s5 =	sadd.s32 s21, s3  }
0x9d: {  	[timem:s7], [sflag:s22] =	dma.local [hbm:s5], s20  }
0x9e: {  	_ =	swait.ge [sflag:s22], s20  }
0x9f: {  	s4 =	ssub.s32 $0x0, s20;
	[sflag:s22] =	ssyncset.done $0x0  }
0xa0: {  	[sflag:s22] =	ssyncadd.s32 s4;
	_ =	sdelay $0x1  }
0xa1: {  	s23 =	simm.s32 $0x1B8B  }
0xa2: {  	_ =	swait.ge [sflag:s23], $0x1  }
0xa3: {  	[sflag:s23] =	ssyncset.done $0x0  }
0xa4: {  	s25 =	simm.s32 $0x1B8E;
	s24 =	sld [smem:$0x3FFE];
	[sflag:s23] =	ssyncadd.s32 $0xFFFFFFFF  }
0xa5: {  	s26 =	simm.s32 $execute0_lowered;
	[smem:$0x3FD2] =	sst s25  }
0xa6: {  	s5 =	sshll.u32 s26, $0x1;
	_ =	strace $0x80000046;
	[dreg:$0x1] =	wrdreg $0xFFFFFFFF  }
0xa7: {  	s28 =	simm.s32 $_size_execute0_lowered;
	s3 =	sadd.s32 s3, s5;
	[dreg:$0x0] =	wrdreg $0x0  }
0xa8: {  	s5 =	sshll.u32 s28, $0x1;
	[dreg:$0x2] =	wrdreg s3  }
0xa9: {  	[dreg:$0x3] =	wrdreg s5  }
0xaa: {  	[dreg:$0x4] =	wrdreg $0xC0  }
0xab: {  	_ =	task [dreg:s7], $0x5FFFF  }
0xac: {  	[dreg:$0x1] =	wrdreg $0xFFFFFFFF  }
0xad: {  	[dreg:$0x0] =	wrdreg $0x60  }
0xae: {  	[dreg:$0x2] =	wrdreg s24  }
0xaf: {  	[dreg:$0x3] =	wrdreg s2  }
0xb0: {  	[dreg:$0x4] =	wrdreg $0x9  }
0xb1: {  	_ =	task.clear_ibuf [dreg:s7], $0x5FFFF;
	_ =	strace $0x90000046  }
0xb2: {  	s29 =	simm.s32 $0x9;
	_ =	strace $0x80000048  }
0xb3: {  	_ =	swait.ge [sflag:s29], $0x1  }
0xb4: {  	[sflag:s29] =	ssyncadd.s32 $0xFFFFFFFF  }
0xb5: {  	_ =	strace $0x90000048  }
0xb6: {  	_ =	sfence  }
0xb7: {  	s30 =	sld [smem:$0x0];
	_ =	sdelay $0x2  }
0xb8: {  	s31 =	sshll.u32 s1, $0xD;
	s1 =	sshrl.u32 s1, $0x2  }
0xb9: {  	s3 =	sand.u32 $0x4000, s31;
	s1 =	sadd.s32 s1, s30  }
0xba: {  	s0 =	sor.u32 s3, s0;
	s1 =	sshll.u32 s1, $0x11  }
0xbb: {  	s0 =	sor.u32 s1, s0  }
0xbc: {  	s0 =	sadd.s32 $0x8F2B, s0  }
0xbd: {  	[sflag:s0] =	ssyncadd.remote.s32 $0x1  }
0xbe: {  	_ =	sfence.sel $0xFFFF  }
0xbf: {  	[dreg:$0x0] =	wrdreg $0xFFFFFFFF;
	(pc) =	sbr.abs _section_cstart, $3  }
0xc0: {  	[dreg:$0x1] =	wrdreg $0xFFFFFFFF  }
0xc1: {  	_ =	task.clear_ibuf [dreg:s7], $0x2FFFF;
	_ =	strace $0x9FFFFFFF  }
0xc2: {  	(tm) =	ssettm $0x7FFFFFFF  }
0xc3: {  	_ =	shalt  }
tec
execute0_lowered:
.L_overlay_start_1:
0x0: {  	(tag) =	ssettag $0x1  }
0x1: {  	s0 =	rddreg [dreg:$0x0]  }
0x2: {  	s1 =	rddreg [dreg:$0x1];
	s3 =	simm.s32 $0x0;
	s2 =	srdreg.scid  }
0x3: {  	s4 =	stileid.u32;
	s18 =	simm.s32 $0x1;
	s28 =	simm.s32 $0x4080  }
0x4: {  	s29 =	simm.s32 $0x4880;
	s30 =	simm.s32 $0x5080;
	s31 =	simm.s32 $0x5880  }
0x5: {  	s10 =	simm.s32 $0x7080;
	s11 =	simm.s32 $0x7880;
	s12 =	simm.s32 $0x8080  }
0x6: {  	s13 =	simm.s32 $0x8880;
	s14 =	simm.s32 $0x9080;
	s15 =	simm.s32 $0x9880  }
0x7: {  	s16 =	simm.s32 $0xA080;
	s17 =	simm.s32 $0xA880;
	s9 =	simm.s32 $0xB080  }
0x8: {  	[smem:$0x7FF] =	sst s3;
	s2 =	sand.u32 $0x1, s2;
	s4 =	sshll.u32 s4, $0x8  }
0x9: {  	s7 =	sadd.s32 $0x1A00, s0;
	s0 =	sadd.s32 $0x1800, s0;
	s5 =	sshll.u32 s2, $0x7  }
0xa: {  	_ =	strace $0x80000047;
	s2 =	ssub.s32 $0x2, s2;
	s4 =	sor.u32 s5, s4  }
0xb: {  	s20 =	sshrl.u32 s2, $0x1;
	s5 =	sadd.s32 $0x200, s1;
	s6 =	sshrl.u32 s4, $0x3  }
0xc: {  	s2 =	ssub.s32 s2, s20;
	s22 =	sshll.u32 s4, $0x7;
	s24 =	sor.u32 $0x40, s4  }
0xd: {  	s4 =	sadd.s32 $0x100, s1;
	s20 =	simm.s32 $0x880;
	s21 =	sadd.s32 s0, s6  }
0xe: {  	s23 =	sadd.s32 s7, s22;
	s8 =	sshrl.u32 s24, $0x3;
	s25 =	sshll.u32 s24, $0x7  }
0xf: {  	s6 =	sadd.s32 $0x300, s1;
	s22 =	simm.s32 $0x1880;
	[dreg:$0x3] =	wrdreg s21  }
0x10: {  	s24 =	simm.s32 $0x2880;
	[dreg:$0x4] =	wrdreg s23;
	s0 =	sadd.s32 s0, s8  }
0x11: {  	v2 =	vlaneseq.u32;
	s26 =	sadd.s32 s7, s25;
	s7 =	smax.u32 s2, $0x1;
	s8 =	simm.s32 $0x2  }
0x12: {  	vm0 =	vmmov $0xffff;
	v1 =	vshrl.u32 v2, $0x3;
	s21 =	simm.s32 $0x1080;
	s23 =	simm.s32 $0x2080;
	[dreg:$0x5] =	wrdreg s0  }
0x13: {  	v0 =	vand.u32 $0x7, v2;
	v2 =	vor.u32 $0x8, v2;
	v1 =	vmul.u32 $0x8, v1;
	s25 =	simm.s32 $0x3080;
	[dreg:$0x6] =	wrdreg s26;
	s26 =	simm.s32 $0x3880  }
.LBB2_1:
0x14: {  	s19 =	rddreg [dreg:$0x3]  }
0x15: {  	[tilespmem:s3], [sflag:$0x2] =	stream.linear.gather [hbm4b:s19+s3], $0x40, $0x38;
	[tilespmem:$0x10080] =	vst v63  }
0x16: {  	_ =	swait.ge [sflag:s8], $0x40  }
0x17: {  	[sflag:s8] =	ssyncset.done $0x0  }
0x18: {  	s0 =	simm.s32 $0x80;
	s2 =	rddreg [dreg:$0x4];
	[sflag:s8] =	ssyncadd.s32 $0xFFFFFFC0  }
0x19: {  	[tilespmem:s0], [sflag:$0x2] =	stream.linear.gather [hbm4b:s2+s3], $0x10000, $0x38;
	[tilespmem:$0x10080] =	vst v63  }
0x1a: {  	_ =	swait.ge [sflag:s8], $0x10000  }
0x1b: {  	[sflag:s8] =	ssyncset.done $0x0  }
0x1c: {  	[sflag:s8] =	ssyncadd.s32 $0xFFFF0000  }
0x1d: {  	v3 =	vld [tilespmem:$0x0];
	_ =	sdelay $0x4  }
0x1e: {  	v4 =	vshll.u32 v3, $0x3  }
0x1f: {  	v3 =	vand.u32 $0x7, v3;
	v4 =	vand.u32 $0xFFFFFFC0, v4  }
0x20: {  	v3 =	vor.u32 v3, v4  }
0x21: {  	v4 =	vperm.xlane v3, v0;
	_ =	sdelay $0x1  }
0x22: {  	v4 =	vadd.s32 v1, v4;
	_ =	sdelay $0x4  }
0x23: {  	[hbm4b:s1+s3] =	stream.indirect_vreg.scatter [tilespmem:s0], [sflag:$0x1], $0x80, v4, vm0, $0xb8;
	[tilespmem:$0x10080] =	vst v63  }
0x24: {  	v3 =	vperm.xlane v3, v2  }
0x25: {  	[hbm4b:s4+s3] =	stream.indirect_vreg.scatter [tilespmem:s20], [sflag:$0x1], $0x80, v4, vm0, $0xb8;
	[tilespmem:$0x10080] =	vst v63  }
0x26: {  	v3 =	vadd.s32 v1, v3  }
0x27: {  	[hbm4b:s5+s3] =	stream.indirect_vreg.scatter [tilespmem:s21], [sflag:$0x1], $0x80, v4, vm0, $0xb8;
	[tilespmem:$0x10080] =	vst v63  }
0x28: {  	_ = 	snop  }
0x29: {  	[hbm4b:s6+s3] =	stream.indirect_vreg.scatter [tilespmem:s22], [sflag:$0x1], $0x80, v4, vm0, $0xb8;
	[tilespmem:$0x10080] =	vst v63  }
0x2a: {  	_ = 	snop  }
0x2b: {  	[hbm4b:s1+s3] =	stream.indirect_vreg.scatter [tilespmem:s23], [sflag:$0x1], $0x80, v3, vm0, $0xb8;
	[tilespmem:$0x10080] =	vst v63  }
0x2c: {  	_ = 	snop  }
0x2d: {  	[hbm4b:s4+s3] =	stream.indirect_vreg.scatter [tilespmem:s24], [sflag:$0x1], $0x80, v3, vm0, $0xb8;
	[tilespmem:$0x10080] =	vst v63  }
0x2e: {  	_ = 	snop  }
0x2f: {  	[hbm4b:s5+s3] =	stream.indirect_vreg.scatter [tilespmem:s25], [sflag:$0x1], $0x80, v3, vm0, $0xb8;
	[tilespmem:$0x10080] =	vst v63  }
0x30: {  	_ = 	snop  }
0x31: {  	[hbm4b:s6+s3] =	stream.indirect_vreg.scatter [tilespmem:s26], [sflag:$0x1], $0x80, v3, vm0, $0xb8;
	[tilespmem:$0x10080] =	vst v63  }
0x32: {  	v3 =	vld [tilespmem:$0x10];
	_ =	sdelay $0x4  }
0x33: {  	v57 =	vshll.u32 v3, $0x3  }
0x34: {  	v3 =	vand.u32 $0x7, v3;
	v4 =	vand.u32 $0xFFFFFFC0, v57  }
0x35: {  	v3 =	vor.u32 v3, v4  }
0x36: {  	v4 =	vperm.xlane v3, v0;
	_ =	sdelay $0x1  }
0x37: {  	v4 =	vadd.s32 v1, v4;
	_ =	sdelay $0x4  }
0x38: {  	[hbm4b:s1+s3] =	stream.indirect_vreg.scatter [tilespmem:s28], [sflag:$0x1], $0x80, v4, vm0, $0xb8;
	[tilespmem:$0x10080] =	vst v63  }
0x39: {  	v3 =	vperm.xlane v3, v2  }
0x3a: {  	[hbm4b:s4+s3] =	stream.indirect_vreg.scatter [tilespmem:s29], [sflag:$0x1], $0x80, v4, vm0, $0xb8;
	[tilespmem:$0x10080] =	vst v63  }
0x3b: {  	v3 =	vadd.s32 v1, v3  }
0x3c: {  	[hbm4b:s5+s3] =	stream.indirect_vreg.scatter [tilespmem:s30], [sflag:$0x1], $0x80, v4, vm0, $0xb8;
	[tilespmem:$0x10080] =	vst v63  }
0x3d: {  	_ = 	snop  }
0x3e: {  	[hbm4b:s6+s3] =	stream.indirect_vreg.scatter [tilespmem:s31], [sflag:$0x1], $0x80, v4, vm0, $0xb8;
	[tilespmem:$0x10080] =	vst v63  }
0x3f: {  	s2 =	simm.s32 $0x6080  }
0x40: {  	[hbm4b:s1+s3] =	stream.indirect_vreg.scatter [tilespmem:s2], [sflag:$0x1], $0x80, v3, vm0, $0xb8;
	[tilespmem:$0x10080] =	vst v63  }
0x41: {  	s2 =	simm.s32 $0x6880  }
0x42: {  	[hbm4b:s4+s3] =	stream.indirect_vreg.scatter [tilespmem:s2], [sflag:$0x1], $0x80, v3, vm0, $0xb8;
	[tilespmem:$0x10080] =	vst v63  }
0x43: {  	_ = 	snop  }
0x44: {  	[hbm4b:s5+s3] =	stream.indirect_vreg.scatter [tilespmem:s10], [sflag:$0x1], $0x80, v3, vm0, $0xb8;
	[tilespmem:$0x10080] =	vst v63  }
0x45: {  	_ = 	snop  }
0x46: {  	[hbm4b:s6+s3] =	stream.indirect_vreg.scatter [tilespmem:s11], [sflag:$0x1], $0x80, v3, vm0, $0xb8;
	[tilespmem:$0x10080] =	vst v63  }
0x47: {  	v3 =	vld [tilespmem:$0x20];
	_ =	sdelay $0x4  }
0x48: {  	v58 =	vshll.u32 v3, $0x3  }
0x49: {  	v3 =	vand.u32 $0x7, v3;
	v4 =	vand.u32 $0xFFFFFFC0, v58  }
0x4a: {  	v3 =	vor.u32 v3, v4  }
0x4b: {  	v4 =	vperm.xlane v3, v0;
	_ =	sdelay $0x1  }
0x4c: {  	v4 =	vadd.s32 v1, v4;
	_ =	sdelay $0x4  }
0x4d: {  	[hbm4b:s1+s3] =	stream.indirect_vreg.scatter [tilespmem:s12], [sflag:$0x1], $0x80, v4, vm0, $0xb8;
	[tilespmem:$0x10080] =	vst v63  }
0x4e: {  	v3 =	vperm.xlane v3, v2  }
0x4f: {  	[hbm4b:s4+s3] =	stream.indirect_vreg.scatter [tilespmem:s13], [sflag:$0x1], $0x80, v4, vm0, $0xb8;
	[tilespmem:$0x10080] =	vst v63  }
0x50: {  	v3 =	vadd.s32 v1, v3  }
0x51: {  	[hbm4b:s5+s3] =	stream.indirect_vreg.scatter [tilespmem:s14], [sflag:$0x1], $0x80, v4, vm0, $0xb8;
	[tilespmem:$0x10080] =	vst v63  }
0x52: {  	_ = 	snop  }
0x53: {  	[hbm4b:s6+s3] =	stream.indirect_vreg.scatter [tilespmem:s15], [sflag:$0x1], $0x80, v4, vm0, $0xb8;
	[tilespmem:$0x10080] =	vst v63  }
0x54: {  	_ = 	snop  }
0x55: {  	[hbm4b:s1+s3] =	stream.indirect_vreg.scatter [tilespmem:s16], [sflag:$0x1], $0x80, v3, vm0, $0xb8;
	[tilespmem:$0x10080] =	vst v63  }
0x56: {  	_ = 	snop  }
0x57: {  	[hbm4b:s4+s3] =	stream.indirect_vreg.scatter [tilespmem:s17], [sflag:$0x1], $0x80, v3, vm0, $0xb8;
	[tilespmem:$0x10080] =	vst v63  }
0x58: {  	_ = 	snop  }
0x59: {  	[hbm4b:s5+s3] =	stream.indirect_vreg.scatter [tilespmem:s9], [sflag:$0x1], $0x80, v3, vm0, $0xb8;
	[tilespmem:$0x10080] =	vst v63  }
0x5a: {  	s19 =	simm.s32 $0xB880  }
0x5b: {  	[hbm4b:s6+s3] =	stream.indirect_vreg.scatter [tilespmem:s19], [sflag:$0x1], $0x80, v3, vm0, $0xb8;
	[tilespmem:$0x10080] =	vst v63  }
0x5c: {  	v3 =	vld [tilespmem:$0x30];
	_ =	sdelay $0x4  }
0x5d: {  	v59 =	vshll.u32 v3, $0x3  }
0x5e: {  	v3 =	vand.u32 $0x7, v3;
	v4 =	vand.u32 $0xFFFFFFC0, v59  }
0x5f: {  	v3 =	vor.u32 v3, v4  }
0x60: {  	v4 =	vperm.xlane v3, v0;
	_ =	sdelay $0x1  }
0x61: {  	v4 =	vadd.s32 v1, v4;
	_ =	sdelay $0x3  }
0x62: {  	s19 =	simm.s32 $0xC080  }
0x63: {  	[hbm4b:s1+s3] =	stream.indirect_vreg.scatter [tilespmem:s19], [sflag:$0x1], $0x80, v4, vm0, $0xb8;
	[tilespmem:$0x10080] =	vst v63  }
0x64: {  	v3 =	vperm.xlane v3, v2;
	s19 =	simm.s32 $0xC880  }
0x65: {  	[hbm4b:s4+s3] =	stream.indirect_vreg.scatter [tilespmem:s19], [sflag:$0x1], $0x80, v4, vm0, $0xb8;
	[tilespmem:$0x10080] =	vst v63  }
0x66: {  	v3 =	vadd.s32 v1, v3;
	s19 =	simm.s32 $0xD080  }
0x67: {  	[hbm4b:s5+s3] =	stream.indirect_vreg.scatter [tilespmem:s19], [sflag:$0x1], $0x80, v4, vm0, $0xb8;
	[tilespmem:$0x10080] =	vst v63  }
0x68: {  	s19 =	simm.s32 $0xD880  }
0x69: {  	[hbm4b:s6+s3] =	stream.indirect_vreg.scatter [tilespmem:s19], [sflag:$0x1], $0x80, v4, vm0, $0xb8;
	[tilespmem:$0x10080] =	vst v63  }
0x6a: {  	s19 =	simm.s32 $0xE080  }
0x6b: {  	[hbm4b:s1+s3] =	stream.indirect_vreg.scatter [tilespmem:s19], [sflag:$0x1], $0x80, v3, vm0, $0xb8;
	[tilespmem:$0x10080] =	vst v63  }
0x6c: {  	s19 =	simm.s32 $0xE880  }
0x6d: {  	[hbm4b:s4+s3] =	stream.indirect_vreg.scatter [tilespmem:s19], [sflag:$0x1], $0x80, v3, vm0, $0xb8;
	[tilespmem:$0x10080] =	vst v63  }
0x6e: {  	s19 =	simm.s32 $0xF080  }
0x6f: {  	[hbm4b:s5+s3] =	stream.indirect_vreg.scatter [tilespmem:s19], [sflag:$0x1], $0x80, v3, vm0, $0xb8;
	[tilespmem:$0x10080] =	vst v63  }
0x70: {  	s19 =	simm.s32 $0xF880  }
0x71: {  	[hbm4b:s6+s3] =	stream.indirect_vreg.scatter [tilespmem:s19], [sflag:$0x1], $0x80, v3, vm0, $0xb8;
	[tilespmem:$0x10080] =	vst v63  }
0x72: {  	_ =	swait.ge [sflag:s18], $0x10000  }
0x73: {  	[sflag:s18] =	ssyncset.done $0x0  }
0x74: {  	s19 =	rddreg [dreg:$0x5];
	[sflag:s18] =	ssyncadd.s32 $0xFFFF0000  }
0x75: {  	[tilespmem:s3], [sflag:$0x2] =	stream.linear.gather [hbm4b:s19+s3], $0x40, $0x38;
	[tilespmem:$0x10080] =	vst v63  }
0x76: {  	_ =	swait.ge [sflag:s8], $0x40  }
0x77: {  	[sflag:s8] =	ssyncset.done $0x0  }
0x78: {  	s19 =	rddreg [dreg:$0x6];
	[sflag:s8] =	ssyncadd.s32 $0xFFFFFFC0  }
0x79: {  	[tilespmem:s0], [sflag:$0x2] =	stream.linear.gather [hbm4b:s19+s3], $0x10000, $0x38;
	[tilespmem:$0x10080] =	vst v63  }
0x7a: {  	_ =	swait.ge [sflag:s8], $0x10000  }
0x7b: {  	[sflag:s8] =	ssyncset.done $0x0  }
0x7c: {  	[sflag:s8] =	ssyncadd.s32 $0xFFFF0000  }
0x7d: {  	v3 =	vld [tilespmem:$0x0];
	_ =	sdelay $0x4  }
0x7e: {  	v60 =	vshll.u32 v3, $0x3  }
0x7f: {  	v3 =	vand.u32 $0x7, v3;
	v4 =	vand.u32 $0xFFFFFFC0, v60  }
0x80: {  	v3 =	vor.u32 v3, v4  }
0x81: {  	v4 =	vperm.xlane v3, v0;
	_ =	sdelay $0x1  }
0x82: {  	v4 =	vadd.s32 v1, v4;
	_ =	sdelay $0x4  }
0x83: {  	[hbm4b:s1+s3] =	stream.indirect_vreg.scatter [tilespmem:s0], [sflag:$0x1], $0x80, v4, vm0, $0xb8;
	[tilespmem:$0x10080] =	vst v63  }
0x84: {  	v3 =	vperm.xlane v3, v2  }
0x85: {  	[hbm4b:s4+s3] =	stream.indirect_vreg.scatter [tilespmem:s20], [sflag:$0x1], $0x80, v4, vm0, $0xb8;
	[tilespmem:$0x10080] =	vst v63  }
0x86: {  	v3 =	vadd.s32 v1, v3  }
0x87: {  	[hbm4b:s5+s3] =	stream.indirect_vreg.scatter [tilespmem:s21], [sflag:$0x1], $0x80, v4, vm0, $0xb8;
	[tilespmem:$0x10080] =	vst v63  }
0x88: {  	_ = 	snop  }
0x89: {  	[hbm4b:s6+s3] =	stream.indirect_vreg.scatter [tilespmem:s22], [sflag:$0x1], $0x80, v4, vm0, $0xb8;
	[tilespmem:$0x10080] =	vst v63  }
0x8a: {  	_ = 	snop  }
0x8b: {  	[hbm4b:s1+s3] =	stream.indirect_vreg.scatter [tilespmem:s23], [sflag:$0x1], $0x80, v3, vm0, $0xb8;
	[tilespmem:$0x10080] =	vst v63  }
0x8c: {  	_ = 	snop  }
0x8d: {  	[hbm4b:s4+s3] =	stream.indirect_vreg.scatter [tilespmem:s24], [sflag:$0x1], $0x80, v3, vm0, $0xb8;
	[tilespmem:$0x10080] =	vst v63  }
0x8e: {  	_ = 	snop  }
0x8f: {  	[hbm4b:s5+s3] =	stream.indirect_vreg.scatter [tilespmem:s25], [sflag:$0x1], $0x80, v3, vm0, $0xb8;
	[tilespmem:$0x10080] =	vst v63  }
0x90: {  	_ = 	snop  }
0x91: {  	[hbm4b:s6+s3] =	stream.indirect_vreg.scatter [tilespmem:s26], [sflag:$0x1], $0x80, v3, vm0, $0xb8;
	[tilespmem:$0x10080] =	vst v63  }
0x92: {  	v3 =	vld [tilespmem:$0x10];
	_ =	sdelay $0x4  }
0x93: {  	v61 =	vshll.u32 v3, $0x3  }
0x94: {  	v3 =	vand.u32 $0x7, v3;
	v4 =	vand.u32 $0xFFFFFFC0, v61  }
0x95: {  	v3 =	vor.u32 v3, v4  }
0x96: {  	v4 =	vperm.xlane v3, v0;
	_ =	sdelay $0x1  }
0x97: {  	v4 =	vadd.s32 v1, v4;
	_ =	sdelay $0x4  }
0x98: {  	[hbm4b:s1+s3] =	stream.indirect_vreg.scatter [tilespmem:s28], [sflag:$0x1], $0x80, v4, vm0, $0xb8;
	[tilespmem:$0x10080] =	vst v63  }
0x99: {  	v3 =	vperm.xlane v3, v2  }
0x9a: {  	[hbm4b:s4+s3] =	stream.indirect_vreg.scatter [tilespmem:s29], [sflag:$0x1], $0x80, v4, vm0, $0xb8;
	[tilespmem:$0x10080] =	vst v63  }
0x9b: {  	v3 =	vadd.s32 v1, v3  }
0x9c: {  	[hbm4b:s5+s3] =	stream.indirect_vreg.scatter [tilespmem:s30], [sflag:$0x1], $0x80, v4, vm0, $0xb8;
	[tilespmem:$0x10080] =	vst v63  }
0x9d: {  	_ = 	snop  }
0x9e: {  	[hbm4b:s6+s3] =	stream.indirect_vreg.scatter [tilespmem:s31], [sflag:$0x1], $0x80, v4, vm0, $0xb8;
	[tilespmem:$0x10080] =	vst v63  }
0x9f: {  	s19 =	simm.s32 $0x6080  }
0xa0: {  	[hbm4b:s1+s3] =	stream.indirect_vreg.scatter [tilespmem:s19], [sflag:$0x1], $0x80, v3, vm0, $0xb8;
	[tilespmem:$0x10080] =	vst v63  }
0xa1: {  	_ = 	snop  }
0xa2: {  	[hbm4b:s4+s3] =	stream.indirect_vreg.scatter [tilespmem:s2], [sflag:$0x1], $0x80, v3, vm0, $0xb8;
	[tilespmem:$0x10080] =	vst v63  }
0xa3: {  	_ = 	snop  }
0xa4: {  	[hbm4b:s5+s3] =	stream.indirect_vreg.scatter [tilespmem:s10], [sflag:$0x1], $0x80, v3, vm0, $0xb8;
	[tilespmem:$0x10080] =	vst v63  }
0xa5: {  	_ = 	snop  }
0xa6: {  	[hbm4b:s6+s3] =	stream.indirect_vreg.scatter [tilespmem:s11], [sflag:$0x1], $0x80, v3, vm0, $0xb8;
	[tilespmem:$0x10080] =	vst v63  }
0xa7: {  	v3 =	vld [tilespmem:$0x20];
	_ =	sdelay $0x4  }
0xa8: {  	v62 =	vshll.u32 v3, $0x3  }
0xa9: {  	v3 =	vand.u32 $0x7, v3;
	v4 =	vand.u32 $0xFFFFFFC0, v62  }
0xaa: {  	v3 =	vor.u32 v3, v4  }
0xab: {  	v4 =	vperm.xlane v3, v0;
	_ =	sdelay $0x1  }
0xac: {  	v4 =	vadd.s32 v1, v4;
	_ =	sdelay $0x4  }
0xad: {  	[hbm4b:s1+s3] =	stream.indirect_vreg.scatter [tilespmem:s12], [sflag:$0x1], $0x80, v4, vm0, $0xb8;
	[tilespmem:$0x10080] =	vst v63  }
0xae: {  	v3 =	vperm.xlane v3, v2  }
0xaf: {  	[hbm4b:s4+s3] =	stream.indirect_vreg.scatter [tilespmem:s13], [sflag:$0x1], $0x80, v4, vm0, $0xb8;
	[tilespmem:$0x10080] =	vst v63  }
0xb0: {  	v3 =	vadd.s32 v1, v3  }
0xb1: {  	[hbm4b:s5+s3] =	stream.indirect_vreg.scatter [tilespmem:s14], [sflag:$0x1], $0x80, v4, vm0, $0xb8;
	[tilespmem:$0x10080] =	vst v63  }
0xb2: {  	_ = 	snop  }
0xb3: {  	[hbm4b:s6+s3] =	stream.indirect_vreg.scatter [tilespmem:s15], [sflag:$0x1], $0x80, v4, vm0, $0xb8;
	[tilespmem:$0x10080] =	vst v63  }
0xb4: {  	_ = 	snop  }
0xb5: {  	[hbm4b:s1+s3] =	stream.indirect_vreg.scatter [tilespmem:s16], [sflag:$0x1], $0x80, v3, vm0, $0xb8;
	[tilespmem:$0x10080] =	vst v63  }
0xb6: {  	_ = 	snop  }
0xb7: {  	[hbm4b:s4+s3] =	stream.indirect_vreg.scatter [tilespmem:s17], [sflag:$0x1], $0x80, v3, vm0, $0xb8;
	[tilespmem:$0x10080] =	vst v63  }
0xb8: {  	_ = 	snop  }
0xb9: {  	[hbm4b:s5+s3] =	stream.indirect_vreg.scatter [tilespmem:s9], [sflag:$0x1], $0x80, v3, vm0, $0xb8;
	[tilespmem:$0x10080] =	vst v63  }
0xba: {  	s19 =	simm.s32 $0xB880  }
0xbb: {  	[hbm4b:s6+s3] =	stream.indirect_vreg.scatter [tilespmem:s19], [sflag:$0x1], $0x80, v3, vm0, $0xb8;
	[tilespmem:$0x10080] =	vst v63  }
0xbc: {  	v3 =	vld [tilespmem:$0x30];
	_ =	sdelay $0x4  }
0xbd: {  	v63 =	vshll.u32 v3, $0x3  }
0xbe: {  	v3 =	vand.u32 $0x7, v3;
	v4 =	vand.u32 $0xFFFFFFC0, v63  }
0xbf: {  	v3 =	vor.u32 v3, v4  }
0xc0: {  	v4 =	vperm.xlane v3, v0;
	_ =	sdelay $0x1  }
0xc1: {  	v4 =	vadd.s32 v1, v4;
	_ =	sdelay $0x3  }
0xc2: {  	s2 =	simm.s32 $0xC080  }
0xc3: {  	[hbm4b:s1+s3] =	stream.indirect_vreg.scatter [tilespmem:s2], [sflag:$0x1], $0x80, v4, vm0, $0xb8;
	[tilespmem:$0x10080] =	vst v63  }
0xc4: {  	s19 =	simm.s32 $0xC880;
	v3 =	vperm.xlane v3, v2  }
0xc5: {  	[hbm4b:s4+s3] =	stream.indirect_vreg.scatter [tilespmem:s19], [sflag:$0x1], $0x80, v4, vm0, $0xb8;
	[tilespmem:$0x10080] =	vst v63  }
0xc6: {  	v3 =	vadd.s32 v1, v3;
	s2 =	simm.s32 $0xD080  }
0xc7: {  	[hbm4b:s5+s3] =	stream.indirect_vreg.scatter [tilespmem:s2], [sflag:$0x1], $0x80, v4, vm0, $0xb8;
	[tilespmem:$0x10080] =	vst v63  }
0xc8: {  	s19 =	simm.s32 $0xD880  }
0xc9: {  	[hbm4b:s6+s3] =	stream.indirect_vreg.scatter [tilespmem:s19], [sflag:$0x1], $0x80, v4, vm0, $0xb8;
	[tilespmem:$0x10080] =	vst v63  }
0xca: {  	s2 =	simm.s32 $0xE080  }
0xcb: {  	[hbm4b:s1+s3] =	stream.indirect_vreg.scatter [tilespmem:s2], [sflag:$0x1], $0x80, v3, vm0, $0xb8;
	[tilespmem:$0x10080] =	vst v63  }
0xcc: {  	s19 =	simm.s32 $0xE880  }
0xcd: {  	[hbm4b:s4+s3] =	stream.indirect_vreg.scatter [tilespmem:s19], [sflag:$0x1], $0x80, v3, vm0, $0xb8;
	[tilespmem:$0x10080] =	vst v63  }
0xce: {  	p0 =	sne.s32 s7, $0x1;
	s2 =	simm.s32 $0xF080  }
0xcf: {  	[hbm4b:s5+s3] =	stream.indirect_vreg.scatter [tilespmem:s2], [sflag:$0x1], $0x80, v3, vm0, $0xb8;
	[tilespmem:$0x10080] =	vst v63  }
.Ltmp0:
0xd0: {  	s19 =	simm.s32 $0xF880;
	(pc) =	sbr.rel @p0 .LBB2_1-.Ltmp0, $4  }
0xd1: {  	[hbm4b:s6+s3] =	stream.indirect_vreg.scatter [tilespmem:s19], [sflag:$0x1], $0x80, v3, vm0, $0xb8;
	[tilespmem:$0x10080] =	vst v63  }
0xd2: {  	_ =	swait.ge [sflag:s18], $0x10000  }
0xd3: {  	[sflag:s18] =	ssyncset.done $0x0  }
0xd4: {  	s7 =	sadd.s32 $0xFFFFFFFF, s7;
	[sflag:s18] =	ssyncadd.s32 $0xFFFF0000  }
0xd5: {  	_ =	sfence.sel $0x180000  }
0xd6: {  	[bflag:$0x0] =	sbarrier.arrive $0xFFFF  }
0xd7: {  	_ =	strace $0x90000047  }
0xd8: {  	s0 =	stileid.u32;
	[bflag:$0x2] =	sbarrier.arrive $0xFFFF  }
0xd9: {  	p0 =	sne.s32 s0, $0x0;
	s0 =	rddreg [dreg:$0x2]  }
0xda: {  	s0 =	sadd.s32 @!p0 $0x100000, s0  }
0xdb: {  	[sflag:s0] =	ssyncadd.tile.s32 @!p0 $0x1;
	_ =	shalt  }
.Lfunc_end2:
_tile_overlayer_lowered:
.L_overlay_start_2:
0xdc: {  	(tag) =	ssettag $0x2  }
0xdd: {  	s0 =	rddreg [dreg:$0x0];
	s2 =	stileid.u32  }
0xde: {  	s1 =	rddreg [dreg:$0x1];
	p0 =	sne.s32 s2, $0x0  }
0xdf: {  	s3 =	rddreg [dreg:$0x2];
	[bflag:$0x3] =	sbarrier.arrive $0xFFFF;
	s2 =	simm.s32 @!p0 $0x1C02  }
0xe0: {  	[timem:s3], [sflag:s2] =	dma.local @!p0 [hbm:s0], s1  }
0xe1: {  	s0 =	simm.s32 @!p0 $0x2  }
0xe2: {  	_ =	swait.ge @!p0 [sflag:s0], s1  }
0xe3: {  	s1 =	ssub.s32 @!p0 $0x0, s1;
	[sflag:s0] =	ssyncset.done @!p0 $0x0  }
0xe4: {  	[sflag:s0] =	ssyncadd.s32 @!p0 s1  }
0xe5: {  	[bflag:$0x3] =	sbarrier.arrive $0xFFFF  }
0xe6: {  	_ =	shalt  }

</sc_bundles>
